<compile_context>
chip_gen: v7x
topology: tpu7x:2x2x1
jax: 0.10.2.dev20260603
libtpu: 0.0.44.dev20260713+nightly
codegen_flags: <defaults>
</compile_context>

<pallas_src>
import functools

import jax
import jax.numpy as jnp
from jax import lax
from jax.experimental import pallas as pl
from jax.experimental.pallas import tpu as pltpu
from jax.experimental.pallas import tpu_sc as plsc

B = 8
N = 16384
TOPK = 1024
KD = 128
D = 3
SK_EPS = 0.05
SK_ITERS = 25
IDX_PAD = TOPK + 16


def _thr_body(u_ref, t_ref, q_ref):
    u = u_ref[...]
    lo0 = jnp.zeros((B, 1), jnp.int32)
    hi0 = jnp.full((B, 1), 0x3F800000, jnp.int32)

    def body(_, c):
        lo, hi = c
        mid = (lo + hi) >> 1
        cnt = jnp.sum((u >= mid).astype(jnp.int32), axis=1, keepdims=True)
        ge = cnt >= TOPK
        return jnp.where(ge, mid, lo), jnp.where(ge, hi, mid)

    lo, _ = lax.fori_loop(0, 30, body, (lo0, hi0))
    cgt = jnp.sum((u > lo).astype(jnp.int32), axis=1, keepdims=True)
    t_ref[...] = jnp.broadcast_to(lo, (B, 128))
    q_ref[...] = jnp.broadcast_to(TOPK - cgt, (B, 128))


def _sc_body(ubits, pts1d, lg2d, tq_t, tq_q,
             lsg_out, ptsT_out, idx_out,
             uvals, idxbuf, tvec, qvec, ptsbuf, idxc, rows, ptc, sem):
    c = lax.axis_index("c")
    s = lax.axis_index("s")

    @pl.when(s < 4)
    def _select():
        b = c * 4 + s
        pltpu.sync_copy(ubits.at[pl.ds(b * N, N)], uvals)
        pltpu.sync_copy(tq_t.at[pl.ds(b * 128, 16)], tvec)
        pltpu.sync_copy(tq_q.at[pl.ds(b * 128, 16)], qvec)
        tv = tvec[...]
        qv = qvec[...]
        iota = lax.iota(jnp.int32, 16)

        def body(j, carry):
            off, eqc = carry
            u = uvals[pl.ds(j * 16, 16)]
            gt = u > tv
            eq = u == tv
            eqr = lax.cumsum(eq.astype(jnp.int32), axis=0) + eqc
            sel = gt | (eq & (eqr <= qv))
            plsc.store_compressed(idxbuf.at[pl.ds(off, 16)], j * 16 + iota,
                                  mask=sel)
            noff = off + jnp.sum(sel.astype(jnp.int32), axis=0)
            neqc = eqc + jnp.sum(eq.astype(jnp.int32), axis=0)
            return noff, neqc

        lax.fori_loop(0, N // 16, body, (jnp.int32(0), jnp.int32(0)))
        pltpu.sync_copy(idxbuf, idx_out.at[pl.ds(b * IDX_PAD, IDX_PAD)])

    plsc.subcore_barrier()

    b = c * 4 + (s // 4)
    base = 256 * (s % 4)
    pltpu.sync_copy(idx_out.at[pl.ds(b * IDX_PAD + base, 256)], idxc)
    for dd in range(D):
        pltpu.sync_copy(pts1d.at[pl.ds((dd * B + b) * N, N)],
                        ptsbuf.at[pl.ds(dd * N, N)])
    for j in range(16):
        r = idxc[pl.ds(j * 16, 16)]
        for dd in range(D):
            ptc[pl.ds(dd * 256 + j * 16, 16)] = plsc.load_gather(
                ptsbuf, [r + dd * N])
    for dd in range(D):
        pltpu.sync_copy(
            ptc.at[pl.ds(dd * 256, 256)],
            ptsT_out.at[pl.ds((b * D + dd) * TOPK + base, 256)])
    for j in range(16):
        idxc[pl.ds(j * 16, 16)] = idxc[pl.ds(j * 16, 16)] + b * N
    pltpu.async_copy(lg2d.at[idxc], rows, sem).wait()
    pltpu.sync_copy(rows, lsg_out.at[pl.ds(b * TOPK + base, 256)])


@functools.cache
def _sc_select_gather():
    mesh = plsc.VectorSubcoreMesh(core_axis_name="c", subcore_axis_name="s")
    return pl.kernel(
        _sc_body,
        mesh=mesh,
        compiler_params=pltpu.CompilerParams(
            needs_layout_passes=False, use_tc_tiling_on_sc=True),
        out_type=[
            jax.ShapeDtypeStruct((B * TOPK, KD), jnp.float32),
            jax.ShapeDtypeStruct((B * D * TOPK,), jnp.float32),
            jax.ShapeDtypeStruct((B * IDX_PAD,), jnp.int32),
        ],
        scratch_types=[
            pltpu.VMEM((N,), jnp.int32),
            pltpu.VMEM((IDX_PAD,), jnp.int32),
            pltpu.VMEM((16,), jnp.int32),
            pltpu.VMEM((16,), jnp.int32),
            pltpu.VMEM((N * D,), jnp.float32),
            pltpu.VMEM((256,), jnp.int32),
            pltpu.VMEM((256, KD), jnp.float32),
            pltpu.VMEM((D * 256,), jnp.float32),
            pltpu.SemaphoreType.DMA,
        ],
    )


G = 8


def _loss_body(lsg_ref, ptsT_ref, out_ref):
    b = pl.program_id(0)
    ls = lsg_ref[...].reshape(G, TOPK, KD)
    p = ptsT_ref[...]

    m = jnp.max(ls, axis=2, keepdims=True)
    e = jnp.exp(ls - m)
    ssum = jnp.sum(e, axis=2, keepdims=True)
    lsm = ls - (m + jnp.log(ssum))
    score = e / ssum

    ns = jnp.sum(score, axis=1, keepdims=True)
    pi = ns / TOPK
    nsc = jnp.clip(ns, 1e-8, None)
    pcols = [p[:, dd, :].reshape(G, TOPK, 1) for dd in range(D)]
    mus = [jnp.sum(score * pcols[dd], axis=1, keepdims=True) / nsc
           for dd in range(D)]

    cost = jnp.zeros((G, TOPK, KD), jnp.float32)
    for dd in range(D):
        diff = pcols[dd] - mus[dd]
        cost = cost + diff * diff
    logT = -cost / SK_EPS
    log_b = jnp.log(jnp.clip(pi, 1e-8, None))
    log_a = -jnp.log(jnp.float32(TOPK))

    def sk(_, fg):
        f, g = fg
        x = logT + g
        m1 = jnp.max(x, axis=2, keepdims=True)
        s1 = jnp.sum(jnp.exp(x - m1), axis=2, keepdims=True)
        f = log_a - (m1 + jnp.log(s1))
        y = logT + f
        m0 = jnp.max(y, axis=1, keepdims=True)
        s0 = jnp.sum(jnp.exp(y - m0), axis=1, keepdims=True)
        g = log_b - (m0 + jnp.log(s0))
        return f, g

    f0 = jnp.zeros((G, TOPK, 1), jnp.float32)
    g0 = jnp.zeros((G, 1, KD), jnp.float32)
    f, g = lax.fori_loop(0, SK_ITERS, sk, (f0, g0))

    assign = jnp.exp(logT + f + g)
    den = jnp.clip(jnp.sum(assign, axis=2, keepdims=True), 1e-4, None)
    assign = assign / den
    loss_b = jnp.sum(-assign * lsm)

    @pl.when(b == 0)
    def _():
        out_ref[0, 0] = 0.0

    out_ref[0, 0] += loss_b


def kernel(pts, log_gamma, prob):
    ubits = lax.bitcast_convert_type(prob, jnp.int32)
    tvec, qvec = pl.pallas_call(
        _thr_body,
        out_shape=[jax.ShapeDtypeStruct((B, 128), jnp.int32)] * 2,
    )(ubits)

    lsg, ptsT, _ = _sc_select_gather()(
        ubits.reshape(B * N), pts.transpose(2, 0, 1).reshape(D * B * N),
        log_gamma.reshape(B * N, KD),
        tvec.reshape(B * 128), qvec.reshape(B * 128))
    ptsT = ptsT.reshape(B, D, TOPK)

    total = pl.pallas_call(
        _loss_body,
        grid=(B // G,),
        in_specs=[
            pl.BlockSpec((G * TOPK, KD), lambda b: (b, 0)),
            pl.BlockSpec((G, D, TOPK), lambda b: (b, 0, 0)),
        ],
        out_specs=pl.BlockSpec(
            (1, 1), lambda b: (0, 0), memory_space=pltpu.SMEM),
        out_shape=jax.ShapeDtypeStruct((1, 1), jnp.float32),
    )(lsg, ptsT)
    return total[0, 0] / (B * KD)

# --- scband reference (transcript-rebuilt; emitter-appended) ---
"""Pipeline reference for scband-kmloss-57964878626830 (READ-ONLY COPY).

The authoritative reference and input builder live on the scoring server;
editing this copy changes nothing except your own understanding.
"""

import jax, jax.numpy as jnp
import numpy as np
from jax.scipy.special import logsumexp

TOP_K = 1024
SK_EPS = 0.05
SK_ITERS = 25


def gmm_params(score, pts):
    # score: [B, N, K] soft assignments (rows sum to 1); pts: [B, N, D]
    N = score.shape[1]
    Ns = jnp.sum(score, axis=1)  # [B, K]
    pi = Ns / N                  # [B, K], sums to 1 over K
    mu = jnp.einsum('bnk,bnd->bkd', score, pts) / jnp.clip(Ns, 1e-8, None)[..., None]
    return pi, mu


def contrastsk(pts, mu, p, max_iter=SK_ITERS, dst='eu'):
    # Entropic-regularized Sinkhorn OT between points (uniform marginal) and
    # cluster centers (marginal p). Log-domain for numerical stability.
    # pts: [B, N, D], mu: [B, K, D], p: [B, K]
    cost = jnp.sum((pts[:, :, None, :] - mu[:, None, :, :]) ** 2, axis=-1)  # [B, N, K]
    B, N, K = cost.shape
    logT = -cost / SK_EPS
    log_a = jnp.full((B, N), -jnp.log(N), dtype=pts.dtype)
    log_b = jnp.log(jnp.clip(p, 1e-8, None))
    f = jnp.zeros((B, N), dtype=pts.dtype)
    g = jnp.zeros((B, K), dtype=pts.dtype)
    for _ in range(max_iter):
        f = log_a - logsumexp(logT + g[:, None, :], axis=2)
        g = log_b - logsumexp(logT + f[:, :, None], axis=1)
    assign = jnp.exp(logT + f[:, :, None] + g[:, None, :])  # [B, N, K]
    dis = jnp.sum(assign * cost, axis=(1, 2))
    return assign, dis


def setup_inputs(seed: int = 0) -> dict:
    key = jax.random.key(seed)
    k1, k2, k3 = jax.random.split(key, 3)
    pts = jax.random.normal(k1, (8, 16384, 3), dtype=jnp.float32)
    log_gamma = jax.random.normal(k2, (8, 16384, 128), dtype=jnp.float32)
    prob = jax.random.uniform(k3, (8, 16384), dtype=jnp.float32)
    return {"pts": pts, "log_gamma": log_gamma, "prob": prob}


def reference(pts, log_gamma, prob):
    B = prob.shape[0]
    Kdim = log_gamma.shape[-1]
    Ddim = pts.shape[-1]
    _, topk_ids = jax.lax.top_k(prob, TOP_K)  # [B, TOP_K]
    idx = topk_ids[:, :, None]
    log_score = jnp.take_along_axis(
        log_gamma, jnp.broadcast_to(idx, (B, TOP_K, Kdim)), axis=1)  # [B, TOP_K, K]
    pts_g = jnp.take_along_axis(
        pts, jnp.broadcast_to(idx, (B, TOP_K, Ddim)), axis=1)        # [B, TOP_K, D]
    score = jax.nn.softmax(log_score, axis=-1)
    pi, mu = gmm_params(score, pts_g)
    assign, dis = contrastsk(pts_g, mu, pi, max_iter=SK_ITERS, dst='eu')
    assign = assign / jnp.clip(jnp.sum(assign, axis=-1, keepdims=True), 1e-4, None)
    assign = jax.lax.stop_gradient(assign)
    loss = jnp.mean(jnp.sum(-assign * jax.nn.log_softmax(log_score, axis=-1), axis=1))
    return loss

if __name__ == "__main__":
    import jax
    _d = setup_inputs()
    print(jax.jit(kernel)(*tuple(_d.values())))

</pallas_src>

<mosaic_0001>
#map = affine_map<(d0, d1) -> (0)>
#map1 = affine_map<(d0, d1) -> (0, 0)>
module attributes {stable_mosaic.version = 14 : i64} {
  func.func @_sc_body(%arg0: i32, %arg1: i32, %arg2: memref<131072xi32, #tpu.memory_space<hbm>>, %arg3: memref<393216xf32, #tpu.memory_space<hbm>>, %arg4: memref<131072x128xf32, #tpu.memory_space<hbm>>, %arg5: memref<1024xi32, #tpu.memory_space<hbm>>, %arg6: memref<1024xi32, #tpu.memory_space<hbm>>, %arg7: memref<8192x128xf32, #tpu.memory_space<hbm>>, %arg8: memref<24576xf32, #tpu.memory_space<hbm>>, %arg9: memref<8320xi32, #tpu.memory_space<hbm>>, %arg10: memref<16384xi32, #tpu.memory_space<vmem>>, %arg11: memref<1040xi32, #tpu.memory_space<vmem>>, %arg12: memref<16xi32, #tpu.memory_space<vmem>>, %arg13: memref<16xi32, #tpu.memory_space<vmem>>, %arg14: memref<49152xf32, #tpu.memory_space<vmem>>, %arg15: memref<256xi32, #tpu.memory_space<vmem>>, %arg16: memref<256x128xf32, #tpu.memory_space<vmem>>, %arg17: memref<768xf32, #tpu.memory_space<vmem>>, %arg18: memref<!tpu.dma_semaphore, #tpu.memory_space<semaphore_mem>>) attributes {dimension_semantics = [#tpu.dimension_semantics<core_parallel>, #tpu.dimension_semantics<subcore_parallel>], iteration_bounds = array<i64: 2, 16>, scalar_prefetch = 0 : i64, scratch_operands = 9 : i64, tpu.core_type = #tpu.core_type<sc_vector_subcore>, window_params = [{transform_indices = #map}, {transform_indices = #map}, {transform_indices = #map1}, {transform_indices = #map}, {transform_indices = #map}, {transform_indices = #map1}, {transform_indices = #map}, {transform_indices = #map}]} {
    %lt3A = arith.constant 4 : i32
    %lt3A_0 = arith.cmpi slt, %arg1, %lt3A : i32
    %convert_element_type3A = arith.extui %lt3A_0 : i1 to i32
    %cond3A = arith.constant 0 : i32
    %cond3A_1 = arith.cmpi ne, %convert_element_type3A, %cond3A : i32
    scf.if %cond3A_1 {
      %mul3A_524 = arith.constant 4 : i32
      %mul3A_525 = arith.muli %arg0, %mul3A_524 : i32
      %add3A_526 = arith.addi %mul3A_525, %arg1 : i32
      %mul3A_527 = arith.constant 16384 : i32
      %mul3A_528 = arith.muli %add3A_526, %mul3A_527 : i32
      "tpu.region"() ({
        %run_scoped3A = tpu.sem_alloc : memref<!tpu.dma_semaphore, #tpu.memory_space<semaphore_mem>>
        %dma_start3A_546 = tpu.memref_slice %arg2[%mul3A_528] : memref<131072xi32, #tpu.memory_space<hbm>> -> memref<16384xi32, #tpu.memory_space<hbm>>
        %dma_start3A_547 = tpu.memref_slice %arg2[%mul3A_528] : memref<131072xi32, #tpu.memory_space<hbm>> -> memref<16384xi32, #tpu.memory_space<hbm>>
        tpu.enqueue_dma source(%dma_start3A_547 : memref<16384xi32, #tpu.memory_space<hbm>>) target(%arg10 : memref<16384xi32, #tpu.memory_space<vmem>>) target_semaphore(%run_scoped3A : memref<!tpu.dma_semaphore, #tpu.memory_space<semaphore_mem>>)
        %dma_wait3A_548 = tpu.memref_slice %arg2[%mul3A_528] : memref<131072xi32, #tpu.memory_space<hbm>> -> memref<16384xi32, #tpu.memory_space<hbm>>
        %dma_wait3A_549 = tpu.memref_slice %arg2[%mul3A_528] : memref<131072xi32, #tpu.memory_space<hbm>> -> memref<16384xi32, #tpu.memory_space<hbm>>
        tpu.wait_dma2 semaphore(%run_scoped3A : memref<!tpu.dma_semaphore, #tpu.memory_space<semaphore_mem>>) src(%dma_wait3A_549 : memref<16384xi32, #tpu.memory_space<hbm>>) dst(%arg10 : memref<16384xi32, #tpu.memory_space<vmem>>)
        tpu.yield
      }) : () -> ()
      %mul3A_529 = arith.constant 128 : i32
      %mul3A_530 = arith.muli %add3A_526, %mul3A_529 : i32
      "tpu.region"() ({
        %run_scoped3A = tpu.sem_alloc : memref<!tpu.dma_semaphore, #tpu.memory_space<semaphore_mem>>
        %dma_start3A_546 = tpu.memref_slice %arg5[%mul3A_530] : memref<1024xi32, #tpu.memory_space<hbm>> -> memref<16xi32, #tpu.memory_space<hbm>>
        %dma_start3A_547 = tpu.memref_slice %arg5[%mul3A_530] : memref<1024xi32, #tpu.memory_space<hbm>> -> memref<16xi32, #tpu.memory_space<hbm>>
        tpu.enqueue_dma source(%dma_start3A_547 : memref<16xi32, #tpu.memory_space<hbm>>) target(%arg12 : memref<16xi32, #tpu.memory_space<vmem>>) target_semaphore(%run_scoped3A : memref<!tpu.dma_semaphore, #tpu.memory_space<semaphore_mem>>)
        %dma_wait3A_548 = tpu.memref_slice %arg5[%mul3A_530] : memref<1024xi32, #tpu.memory_space<hbm>> -> memref<16xi32, #tpu.memory_space<hbm>>
        %dma_wait3A_549 = tpu.memref_slice %arg5[%mul3A_530] : memref<1024xi32, #tpu.memory_space<hbm>> -> memref<16xi32, #tpu.memory_space<hbm>>
        tpu.wait_dma2 semaphore(%run_scoped3A : memref<!tpu.dma_semaphore, #tpu.memory_space<semaphore_mem>>) src(%dma_wait3A_549 : memref<16xi32, #tpu.memory_space<hbm>>) dst(%arg12 : memref<16xi32, #tpu.memory_space<vmem>>)
        tpu.yield
      }) : () -> ()
      %mul3A_531 = arith.constant 128 : i32
      %mul3A_532 = arith.muli %add3A_526, %mul3A_531 : i32
      "tpu.region"() ({
        %run_scoped3A = tpu.sem_alloc : memref<!tpu.dma_semaphore, #tpu.memory_space<semaphore_mem>>
        %dma_start3A_546 = tpu.memref_slice %arg6[%mul3A_532] : memref<1024xi32, #tpu.memory_space<hbm>> -> memref<16xi32, #tpu.memory_space<hbm>>
        %dma_start3A_547 = tpu.memref_slice %arg6[%mul3A_532] : memref<1024xi32, #tpu.memory_space<hbm>> -> memref<16xi32, #tpu.memory_space<hbm>>
        tpu.enqueue_dma source(%dma_start3A_547 : memref<16xi32, #tpu.memory_space<hbm>>) target(%arg13 : memref<16xi32, #tpu.memory_space<vmem>>) target_semaphore(%run_scoped3A : memref<!tpu.dma_semaphore, #tpu.memory_space<semaphore_mem>>)
        %dma_wait3A_548 = tpu.memref_slice %arg6[%mul3A_532] : memref<1024xi32, #tpu.memory_space<hbm>> -> memref<16xi32, #tpu.memory_space<hbm>>
        %dma_wait3A_549 = tpu.memref_slice %arg6[%mul3A_532] : memref<1024xi32, #tpu.memory_space<hbm>> -> memref<16xi32, #tpu.memory_space<hbm>>
        tpu.wait_dma2 semaphore(%run_scoped3A : memref<!tpu.dma_semaphore, #tpu.memory_space<semaphore_mem>>) src(%dma_wait3A_549 : memref<16xi32, #tpu.memory_space<hbm>>) dst(%arg13 : memref<16xi32, #tpu.memory_space<vmem>>)
        tpu.yield
      }) : () -> ()
      %get3A_533 = arith.constant 0 : index
      %get3A_534 = tpu.vector_load %arg12[%get3A_533] {strides = array<i32>} : memref<16xi32, #tpu.memory_space<vmem>>, vector<16xi32>,
      %get3A_535 = arith.constant 0 : index
      %get3A_536 = tpu.vector_load %arg13[%get3A_535] {strides = array<i32>} : memref<16xi32, #tpu.memory_space<vmem>>, vector<16xi32>,
      %iota3A = tpu.iota {dimensions = array<i32: 0>} : vector<16xi32>
      %scan3A = arith.constant 0 : i32
      %scan3A_537 = arith.constant 0 : i32
      %scan3A_538 = arith.constant 0 : i32
      %scan3A_539 = arith.constant 1024 : i32
      %scan3A_540 = arith.addi %scan3A_538, %scan3A_539 : i32
      %scan3A_541 = arith.constant 1 : i32
      %scan3A_542:2 = scf.for %scan3A_546 = %scan3A_538 to %scan3A_540 step %scan3A_541 iter_args(%scan3A_547 = %scan3A, %scan3A_548 = %scan3A_537) -> (i32, i32)  : i32 {
        %mul3A_549 = arith.constant 16 : i32
        %mul3A_550 = arith.muli %scan3A_546, %mul3A_549 : i32
        %get3A_551 = arith.index_cast %mul3A_550 : i32 to index
        %get3A_552 = tpu.vector_load %arg10[%get3A_551] {strides = array<i32>} : memref<16384xi32, #tpu.memory_space<vmem>>, vector<16xi32>,
        %gt3A = arith.cmpi sgt, %get3A_552, %get3A_534 : vector<16xi32>
        %eq3A_553 = arith.cmpi eq, %get3A_552, %get3A_534 : vector<16xi32>
        %convert_element_type3A_554 = arith.extui %eq3A_553 : vector<16xi1> to vector<16xi32>
        %cumsum3A = arith.constant true
        %cumsum3A_555 = vector.broadcast %cumsum3A : i1 to vector<16xi1>
        %cumsum3A_556 = tpu.scan <sum>, %convert_element_type3A_554 masked %cumsum3A_555 : vector<16xi32>, vector<16xi1> -> vector<16xi32>
        %add3A_557 = vector.broadcast %scan3A_548 : i32 to vector<16xi32>
        %add3A_558 = arith.addi %cumsum3A_556, %add3A_557 : vector<16xi32>
        %le3A = arith.cmpi sle, %add3A_558, %get3A_536 : vector<16xi32>
        %and3A_559 = arith.andi %eq3A_553, %le3A : vector<16xi1>
        %or3A = arith.ori %gt3A, %and3A_559 : vector<16xi1>
        %mul3A_560 = arith.constant 16 : i32
        %mul3A_561 = arith.muli %scan3A_546, %mul3A_560 : i32
        %add3A_562 = vector.broadcast %mul3A_561 : i32 to vector<16xi32>
        %add3A_563 = arith.addi %add3A_562, %iota3A : vector<16xi32>
        %swap3A_564 = arith.index_cast %scan3A_547 : i32 to index
        %swap3A_565 = tpu.vector_load %arg11[%swap3A_564] masked %or3A {strides = array<i32>} : memref<1040xi32, #tpu.memory_space<vmem>>, vector<16xi32>, vector<16xi1>
        tpu.vector_store %arg11[%swap3A_564], %add3A_563 masked %or3A {strides = array<i32>} : memref<1040xi32, #tpu.memory_space<vmem>>, vector<16xi32>, vector<16xi1>
        %convert_element_type3A_566 = arith.extui %or3A : vector<16xi1> to vector<16xi32>
        %reduce_sum3A = arith.constant true
        %reduce_sum3A_567 = vector.broadcast %reduce_sum3A : i1 to vector<16xi1>
        %reduce_sum3A_568 = tpu.scan <sum>, %convert_element_type3A_566 masked %reduce_sum3A_567 : vector<16xi32>, vector<16xi1> -> vector<16xi32>
        %reduce_sum3A_569 = vector.extract %reduce_sum3A_568[15] : i32 from vector<16xi32>
        %add3A_570 = arith.addi %scan3A_547, %reduce_sum3A_569 : i32
        %convert_element_type3A_571 = arith.extui %eq3A_553 : vector<16xi1> to vector<16xi32>
        %reduce_sum3A_572 = arith.constant true
        %reduce_sum3A_573 = vector.broadcast %reduce_sum3A_572 : i1 to vector<16xi1>
        %reduce_sum3A_574 = tpu.scan <sum>, %convert_element_type3A_571 masked %reduce_sum3A_573 : vector<16xi32>, vector<16xi1> -> vector<16xi32>
        %reduce_sum3A_575 = vector.extract %reduce_sum3A_574[15] : i32 from vector<16xi32>
        %add3A_576 = arith.addi %scan3A_548, %reduce_sum3A_575 : i32
        scf.yield %add3A_570, %add3A_576 : i32, i32
      }
      %scan3A_543 = arith.constant 1024 : i32
      %mul3A_544 = arith.constant 1040 : i32
      %mul3A_545 = arith.muli %add3A_526, %mul3A_544 : i32
      "tpu.region"() ({
        %run_scoped3A = tpu.sem_alloc : memref<!tpu.dma_semaphore, #tpu.memory_space<semaphore_mem>>
        %dma_start3A_546 = tpu.memref_slice %arg9[%mul3A_545] : memref<8320xi32, #tpu.memory_space<hbm>> -> memref<1040xi32, #tpu.memory_space<hbm>>
        %dma_start3A_547 = tpu.memref_slice %arg9[%mul3A_545] : memref<8320xi32, #tpu.memory_space<hbm>> -> memref<1040xi32, #tpu.memory_space<hbm>>
        tpu.enqueue_dma source(%arg11 : memref<1040xi32, #tpu.memory_space<vmem>>) target(%dma_start3A_547 : memref<1040xi32, #tpu.memory_space<hbm>>) target_semaphore(%run_scoped3A : memref<!tpu.dma_semaphore, #tpu.memory_space<semaphore_mem>>)
        %dma_wait3A_548 = tpu.memref_slice %arg9[%mul3A_545] : memref<8320xi32, #tpu.memory_space<hbm>> -> memref<1040xi32, #tpu.memory_space<hbm>>
        %dma_wait3A_549 = tpu.memref_slice %arg9[%mul3A_545] : memref<8320xi32, #tpu.memory_space<hbm>> -> memref<1040xi32, #tpu.memory_space<hbm>>
        tpu.wait_dma2 semaphore(%run_scoped3A : memref<!tpu.dma_semaphore, #tpu.memory_space<semaphore_mem>>) src(%arg11 : memref<1040xi32, #tpu.memory_space<vmem>>) dst(%dma_wait3A_549 : memref<1040xi32, #tpu.memory_space<hbm>>)
        tpu.yield
      }) : () -> ()
    } else {
    }
    %barrier3A = arith.constant 0 : index
    tpu.barrier barrier_id(%barrier3A)
    %mul3A = arith.constant 4 : i32
    %mul3A_2 = arith.muli %arg0, %mul3A : i32
    %jit3A = arith.constant 4 : i32
    %div3A = arith.divsi %arg1, %jit3A : i32
    %sign3A = arith.constant 0 : i32
    %sign3A_3 = arith.cmpi sgt, %arg1, %sign3A : i32
    %sign3A_4 = arith.extui %sign3A_3 : i1 to i32
    %sign3A_5 = arith.constant 0 : i32
    %sign3A_6 = arith.cmpi slt, %arg1, %sign3A_5 : i32
    %sign3A_7 = arith.extui %sign3A_6 : i1 to i32
    %sign3A_8 = arith.subi %sign3A_4, %sign3A_7 : i32
    %sign3A_9 = arith.constant 0 : i32
    %sign3A_10 = arith.cmpi sgt, %jit3A, %sign3A_9 : i32
    %sign3A_11 = arith.extui %sign3A_10 : i1 to i32
    %sign3A_12 = arith.constant 0 : i32
    %sign3A_13 = arith.cmpi slt, %jit3A, %sign3A_12 : i32
    %sign3A_14 = arith.extui %sign3A_13 : i1 to i32
    %sign3A_15 = arith.subi %sign3A_11, %sign3A_14 : i32
    %ne3A = arith.cmpi ne, %sign3A_8, %sign3A_15 : i32
    %rem3A = arith.remsi %arg1, %jit3A : i32
    %ne3A_16 = arith.constant 0 : i32
    %ne3A_17 = arith.cmpi ne, %rem3A, %ne3A_16 : i32
    %and3A = arith.andi %ne3A, %ne3A_17 : i1
    %sub3A = arith.constant 1 : i32
    %sub3A_18 = arith.subi %div3A, %sub3A : i32
    %select_n3A = arith.select %and3A, %sub3A_18, %div3A : i32
    %add3A = arith.addi %mul3A_2, %select_n3A : i32
    %jit3A_19 = arith.constant 4 : i32
    %eq3A = arith.constant 0 : i32
    %eq3A_20 = arith.cmpi eq, %jit3A_19, %eq3A : i32
    %jit3A_21 = arith.constant 1 : i32
    %select_n3A_22 = arith.select %eq3A_20, %jit3A_21, %jit3A_19 : i32
    %rem3A_23 = arith.remsi %arg1, %select_n3A_22 : i32
    %ne3A_24 = arith.constant 0 : i32
    %ne3A_25 = arith.cmpi ne, %rem3A_23, %ne3A_24 : i32
    %lt3A_26 = arith.constant 0 : i32
    %lt3A_27 = arith.cmpi slt, %rem3A_23, %lt3A_26 : i32
    %lt3A_28 = arith.constant 0 : i32
    %lt3A_29 = arith.cmpi slt, %select_n3A_22, %lt3A_28 : i32
    %ne3A_30 = arith.xori %lt3A_27, %lt3A_29 : i1
    %and3A_31 = arith.andi %ne3A_30, %ne3A_25 : i1
    %add3A_32 = arith.addi %rem3A_23, %select_n3A_22 : i32
    %select_n3A_33 = arith.select %and3A_31, %add3A_32, %rem3A_23 : i32
    %mul3A_34 = arith.constant 256 : i32
    %mul3A_35 = arith.muli %mul3A_34, %select_n3A_33 : i32
    %mul3A_36 = arith.constant 1040 : i32
    %mul3A_37 = arith.muli %add3A, %mul3A_36 : i32
    %add3A_38 = arith.addi %mul3A_37, %mul3A_35 : i32
    "tpu.region"() ({
      %run_scoped3A = tpu.sem_alloc : memref<!tpu.dma_semaphore, #tpu.memory_space<semaphore_mem>>
      %dma_start3A_524 = tpu.memref_slice %arg9[%add3A_38] : memref<8320xi32, #tpu.memory_space<hbm>> -> memref<256xi32, #tpu.memory_space<hbm>>
      %dma_start3A_525 = tpu.memref_slice %arg9[%add3A_38] : memref<8320xi32, #tpu.memory_space<hbm>> -> memref<256xi32, #tpu.memory_space<hbm>>
      tpu.enqueue_dma source(%dma_start3A_525 : memref<256xi32, #tpu.memory_space<hbm>>) target(%arg15 : memref<256xi32, #tpu.memory_space<vmem>>) target_semaphore(%run_scoped3A : memref<!tpu.dma_semaphore, #tpu.memory_space<semaphore_mem>>)
      %dma_wait3A_526 = tpu.memref_slice %arg9[%add3A_38] : memref<8320xi32, #tpu.memory_space<hbm>> -> memref<256xi32, #tpu.memory_space<hbm>>
      %dma_wait3A_527 = tpu.memref_slice %arg9[%add3A_38] : memref<8320xi32, #tpu.memory_space<hbm>> -> memref<256xi32, #tpu.memory_space<hbm>>
      tpu.wait_dma2 semaphore(%run_scoped3A : memref<!tpu.dma_semaphore, #tpu.memory_space<semaphore_mem>>) src(%dma_wait3A_527 : memref<256xi32, #tpu.memory_space<hbm>>) dst(%arg15 : memref<256xi32, #tpu.memory_space<vmem>>)
      tpu.yield
    }) : () -> ()
    %add3A_39 = arith.constant 0 : i32
    %add3A_40 = arith.addi %add3A_39, %add3A : i32
    %mul3A_41 = arith.constant 16384 : i32
    %mul3A_42 = arith.muli %add3A_40, %mul3A_41 : i32
    "tpu.region"() ({
      %run_scoped3A = tpu.sem_alloc : memref<!tpu.dma_semaphore, #tpu.memory_space<semaphore_mem>>
      %dma_start3A_524 = arith.constant 0 : i32
      %dma_start3A_525 = tpu.memref_slice %arg14[%dma_start3A_524] : memref<49152xf32, #tpu.memory_space<vmem>> -> memref<16384xf32, #tpu.memory_space<vmem>>
      %dma_start3A_526 = tpu.memref_slice %arg3[%mul3A_42] : memref<393216xf32, #tpu.memory_space<hbm>> -> memref<16384xf32, #tpu.memory_space<hbm>>
      %dma_start3A_527 = arith.constant 0 : i32
      %dma_start3A_528 = tpu.memref_slice %arg14[%dma_start3A_527] : memref<49152xf32, #tpu.memory_space<vmem>> -> memref<16384xf32, #tpu.memory_space<vmem>>
      %dma_start3A_529 = tpu.memref_slice %arg3[%mul3A_42] : memref<393216xf32, #tpu.memory_space<hbm>> -> memref<16384xf32, #tpu.memory_space<hbm>>
      tpu.enqueue_dma source(%dma_start3A_529 : memref<16384xf32, #tpu.memory_space<hbm>>) target(%dma_start3A_528 : memref<16384xf32, #tpu.memory_space<vmem>>) target_semaphore(%run_scoped3A : memref<!tpu.dma_semaphore, #tpu.memory_space<semaphore_mem>>)
      %dma_wait3A_530 = arith.constant 0 : i32
      %dma_wait3A_531 = tpu.memref_slice %arg14[%dma_wait3A_530] : memref<49152xf32, #tpu.memory_space<vmem>> -> memref<16384xf32, #tpu.memory_space<vmem>>
      %dma_wait3A_532 = tpu.memref_slice %arg3[%mul3A_42] : memref<393216xf32, #tpu.memory_space<hbm>> -> memref<16384xf32, #tpu.memory_space<hbm>>
      %dma_wait3A_533 = arith.constant 0 : i32
      %dma_wait3A_534 = tpu.memref_slice %arg14[%dma_wait3A_533] : memref<49152xf32, #tpu.memory_space<vmem>> -> memref<16384xf32, #tpu.memory_space<vmem>>
      %dma_wait3A_535 = tpu.memref_slice %arg3[%mul3A_42] : memref<393216xf32, #tpu.memory_space<hbm>> -> memref<16384xf32, #tpu.memory_space<hbm>>
      tpu.wait_dma2 semaphore(%run_scoped3A : memref<!tpu.dma_semaphore, #tpu.memory_space<semaphore_mem>>) src(%dma_wait3A_535 : memref<16384xf32, #tpu.memory_space<hbm>>) dst(%dma_wait3A_534 : memref<16384xf32, #tpu.memory_space<vmem>>)
      tpu.yield
    }) : () -> ()
    %add3A_43 = arith.constant 8 : i32
    %add3A_44 = arith.addi %add3A_43, %add3A : i32
    %mul3A_45 = arith.constant 16384 : i32
    %mul3A_46 = arith.muli %add3A_44, %mul3A_45 : i32
    "tpu.region"() ({
      %run_scoped3A = tpu.sem_alloc : memref<!tpu.dma_semaphore, #tpu.memory_space<semaphore_mem>>
      %dma_start3A_524 = arith.constant 16384 : i32
      %dma_start3A_525 = tpu.memref_slice %arg14[%dma_start3A_524] : memref<49152xf32, #tpu.memory_space<vmem>> -> memref<16384xf32, #tpu.memory_space<vmem>>
      %dma_start3A_526 = tpu.memref_slice %arg3[%mul3A_46] : memref<393216xf32, #tpu.memory_space<hbm>> -> memref<16384xf32, #tpu.memory_space<hbm>>
      %dma_start3A_527 = arith.constant 16384 : i32
      %dma_start3A_528 = tpu.memref_slice %arg14[%dma_start3A_527] : memref<49152xf32, #tpu.memory_space<vmem>> -> memref<16384xf32, #tpu.memory_space<vmem>>
      %dma_start3A_529 = tpu.memref_slice %arg3[%mul3A_46] : memref<393216xf32, #tpu.memory_space<hbm>> -> memref<16384xf32, #tpu.memory_space<hbm>>
      tpu.enqueue_dma source(%dma_start3A_529 : memref<16384xf32, #tpu.memory_space<hbm>>) target(%dma_start3A_528 : memref<16384xf32, #tpu.memory_space<vmem>>) target_semaphore(%run_scoped3A : memref<!tpu.dma_semaphore, #tpu.memory_space<semaphore_mem>>)
      %dma_wait3A_530 = arith.constant 16384 : i32
      %dma_wait3A_531 = tpu.memref_slice %arg14[%dma_wait3A_530] : memref<49152xf32, #tpu.memory_space<vmem>> -> memref<16384xf32, #tpu.memory_space<vmem>>
      %dma_wait3A_532 = tpu.memref_slice %arg3[%mul3A_46] : memref<393216xf32, #tpu.memory_space<hbm>> -> memref<16384xf32, #tpu.memory_space<hbm>>
      %dma_wait3A_533 = arith.constant 16384 : i32
      %dma_wait3A_534 = tpu.memref_slice %arg14[%dma_wait3A_533] : memref<49152xf32, #tpu.memory_space<vmem>> -> memref<16384xf32, #tpu.memory_space<vmem>>
      %dma_wait3A_535 = tpu.memref_slice %arg3[%mul3A_46] : memref<393216xf32, #tpu.memory_space<hbm>> -> memref<16384xf32, #tpu.memory_space<hbm>>
      tpu.wait_dma2 semaphore(%run_scoped3A : memref<!tpu.dma_semaphore, #tpu.memory_space<semaphore_mem>>) src(%dma_wait3A_535 : memref<16384xf32, #tpu.memory_space<hbm>>) dst(%dma_wait3A_534 : memref<16384xf32, #tpu.memory_space<vmem>>)
      tpu.yield
    }) : () -> ()
    %add3A_47 = arith.constant 16 : i32
    %add3A_48 = arith.addi %add3A_47, %add3A : i32
    %mul3A_49 = arith.constant 16384 : i32
    %mul3A_50 = arith.muli %add3A_48, %mul3A_49 : i32
    "tpu.region"() ({
      %run_scoped3A = tpu.sem_alloc : memref<!tpu.dma_semaphore, #tpu.memory_space<semaphore_mem>>
      %dma_start3A_524 = arith.constant 32768 : i32
      %dma_start3A_525 = tpu.memref_slice %arg14[%dma_start3A_524] : memref<49152xf32, #tpu.memory_space<vmem>> -> memref<16384xf32, #tpu.memory_space<vmem>>
      %dma_start3A_526 = tpu.memref_slice %arg3[%mul3A_50] : memref<393216xf32, #tpu.memory_space<hbm>> -> memref<16384xf32, #tpu.memory_space<hbm>>
      %dma_start3A_527 = arith.constant 32768 : i32
      %dma_start3A_528 = tpu.memref_slice %arg14[%dma_start3A_527] : memref<49152xf32, #tpu.memory_space<vmem>> -> memref<16384xf32, #tpu.memory_space<vmem>>
      %dma_start3A_529 = tpu.memref_slice %arg3[%mul3A_50] : memref<393216xf32, #tpu.memory_space<hbm>> -> memref<16384xf32, #tpu.memory_space<hbm>>
      tpu.enqueue_dma source(%dma_start3A_529 : memref<16384xf32, #tpu.memory_space<hbm>>) target(%dma_start3A_528 : memref<16384xf32, #tpu.memory_space<vmem>>) target_semaphore(%run_scoped3A : memref<!tpu.dma_semaphore, #tpu.memory_space<semaphore_mem>>)
      %dma_wait3A_530 = arith.constant 32768 : i32
      %dma_wait3A_531 = tpu.memref_slice %arg14[%dma_wait3A_530] : memref<49152xf32, #tpu.memory_space<vmem>> -> memref<16384xf32, #tpu.memory_space<vmem>>
      %dma_wait3A_532 = tpu.memref_slice %arg3[%mul3A_50] : memref<393216xf32, #tpu.memory_space<hbm>> -> memref<16384xf32, #tpu.memory_space<hbm>>
      %dma_wait3A_533 = arith.constant 32768 : i32
      %dma_wait3A_534 = tpu.memref_slice %arg14[%dma_wait3A_533] : memref<49152xf32, #tpu.memory_space<vmem>> -> memref<16384xf32, #tpu.memory_space<vmem>>
      %dma_wait3A_535 = tpu.memref_slice %arg3[%mul3A_50] : memref<393216xf32, #tpu.memory_space<hbm>> -> memref<16384xf32, #tpu.memory_space<hbm>>
      tpu.wait_dma2 semaphore(%run_scoped3A : memref<!tpu.dma_semaphore, #tpu.memory_space<semaphore_mem>>) src(%dma_wait3A_535 : memref<16384xf32, #tpu.memory_space<hbm>>) dst(%dma_wait3A_534 : memref<16384xf32, #tpu.memory_space<vmem>>)
      tpu.yield
    }) : () -> ()
    %get3A = arith.constant 0 : index
    %get3A_51 = tpu.vector_load %arg15[%get3A] {strides = array<i32>} : memref<256xi32, #tpu.memory_space<vmem>>, vector<16xi32>,
    %add3A_52 = arith.constant 0 : i32
    %add3A_53 = vector.broadcast %add3A_52 : i32 to vector<16xi32>
    %add3A_54 = arith.addi %get3A_51, %add3A_53 : vector<16xi32>
    %gather3A = tpu.vector_load_idx %arg14[%add3A_54] : memref<49152xf32, #tpu.memory_space<vmem>>[vector<16xi32>], vector<16xf32>,
    %swap3A = arith.constant 0 : index
    %swap3A_55 = tpu.vector_load %arg17[%swap3A] {strides = array<i32>} : memref<768xf32, #tpu.memory_space<vmem>>, vector<16xf32>,
    tpu.vector_store %arg17[%swap3A], %gather3A {strides = array<i32>} : memref<768xf32, #tpu.memory_space<vmem>>, vector<16xf32>,
    %add3A_56 = arith.constant 16384 : i32
    %add3A_57 = vector.broadcast %add3A_56 : i32 to vector<16xi32>
    %add3A_58 = arith.addi %get3A_51, %add3A_57 : vector<16xi32>
    %gather3A_59 = tpu.vector_load_idx %arg14[%add3A_58] : memref<49152xf32, #tpu.memory_space<vmem>>[vector<16xi32>], vector<16xf32>,
    %swap3A_60 = arith.constant 256 : index
    %swap3A_61 = tpu.vector_load %arg17[%swap3A_60] {strides = array<i32>} : memref<768xf32, #tpu.memory_space<vmem>>, vector<16xf32>,
    tpu.vector_store %arg17[%swap3A_60], %gather3A_59 {strides = array<i32>} : memref<768xf32, #tpu.memory_space<vmem>>, vector<16xf32>,
    %add3A_62 = arith.constant 32768 : i32
    %add3A_63 = vector.broadcast %add3A_62 : i32 to vector<16xi32>
    %add3A_64 = arith.addi %get3A_51, %add3A_63 : vector<16xi32>
    %gather3A_65 = tpu.vector_load_idx %arg14[%add3A_64] : memref<49152xf32, #tpu.memory_space<vmem>>[vector<16xi32>], vector<16xf32>,
    %swap3A_66 = arith.constant 512 : index
    %swap3A_67 = tpu.vector_load %arg17[%swap3A_66] {strides = array<i32>} : memref<768xf32, #tpu.memory_space<vmem>>, vector<16xf32>,
    tpu.vector_store %arg17[%swap3A_66], %gather3A_65 {strides = array<i32>} : memref<768xf32, #tpu.memory_space<vmem>>, vector<16xf32>,
    %get3A_68 = arith.constant 16 : index
    %get3A_69 = tpu.vector_load %arg15[%get3A_68] {strides = array<i32>} : memref<256xi32, #tpu.memory_space<vmem>>, vector<16xi32>,
    %add3A_70 = arith.constant 0 : i32
    %add3A_71 = vector.broadcast %add3A_70 : i32 to vector<16xi32>
    %add3A_72 = arith.addi %get3A_69, %add3A_71 : vector<16xi32>
    %gather3A_73 = tpu.vector_load_idx %arg14[%add3A_72] : memref<49152xf32, #tpu.memory_space<vmem>>[vector<16xi32>], vector<16xf32>,
    %swap3A_74 = arith.constant 16 : index
    %swap3A_75 = tpu.vector_load %arg17[%swap3A_74] {strides = array<i32>} : memref<768xf32, #tpu.memory_space<vmem>>, vector<16xf32>,
    tpu.vector_store %arg17[%swap3A_74], %gather3A_73 {strides = array<i32>} : memref<768xf32, #tpu.memory_space<vmem>>, vector<16xf32>,
    %add3A_76 = arith.constant 16384 : i32
    %add3A_77 = vector.broadcast %add3A_76 : i32 to vector<16xi32>
    %add3A_78 = arith.addi %get3A_69, %add3A_77 : vector<16xi32>
    %gather3A_79 = tpu.vector_load_idx %arg14[%add3A_78] : memref<49152xf32, #tpu.memory_space<vmem>>[vector<16xi32>], vector<16xf32>,
    %swap3A_80 = arith.constant 272 : index
    %swap3A_81 = tpu.vector_load %arg17[%swap3A_80] {strides = array<i32>} : memref<768xf32, #tpu.memory_space<vmem>>, vector<16xf32>,
    tpu.vector_store %arg17[%swap3A_80], %gather3A_79 {strides = array<i32>} : memref<768xf32, #tpu.memory_space<vmem>>, vector<16xf32>,
    %add3A_82 = arith.constant 32768 : i32
    %add3A_83 = vector.broadcast %add3A_82 : i32 to vector<16xi32>
    %add3A_84 = arith.addi %get3A_69, %add3A_83 : vector<16xi32>
    %gather3A_85 = tpu.vector_load_idx %arg14[%add3A_84] : memref<49152xf32, #tpu.memory_space<vmem>>[vector<16xi32>], vector<16xf32>,
    %swap3A_86 = arith.constant 528 : index
    %swap3A_87 = tpu.vector_load %arg17[%swap3A_86] {strides = array<i32>} : memref<768xf32, #tpu.memory_space<vmem>>, vector<16xf32>,
    tpu.vector_store %arg17[%swap3A_86], %gather3A_85 {strides = array<i32>} : memref<768xf32, #tpu.memory_space<vmem>>, vector<16xf32>,
    %get3A_88 = arith.constant 32 : index
    %get3A_89 = tpu.vector_load %arg15[%get3A_88] {strides = array<i32>} : memref<256xi32, #tpu.memory_space<vmem>>, vector<16xi32>,
    %add3A_90 = arith.constant 0 : i32
    %add3A_91 = vector.broadcast %add3A_90 : i32 to vector<16xi32>
    %add3A_92 = arith.addi %get3A_89, %add3A_91 : vector<16xi32>
    %gather3A_93 = tpu.vector_load_idx %arg14[%add3A_92] : memref<49152xf32, #tpu.memory_space<vmem>>[vector<16xi32>], vector<16xf32>,
    %swap3A_94 = arith.constant 32 : index
    %swap3A_95 = tpu.vector_load %arg17[%swap3A_94] {strides = array<i32>} : memref<768xf32, #tpu.memory_space<vmem>>, vector<16xf32>,
    tpu.vector_store %arg17[%swap3A_94], %gather3A_93 {strides = array<i32>} : memref<768xf32, #tpu.memory_space<vmem>>, vector<16xf32>,
    %add3A_96 = arith.constant 16384 : i32
    %add3A_97 = vector.broadcast %add3A_96 : i32 to vector<16xi32>
    %add3A_98 = arith.addi %get3A_89, %add3A_97 : vector<16xi32>
    %gather3A_99 = tpu.vector_load_idx %arg14[%add3A_98] : memref<49152xf32, #tpu.memory_space<vmem>>[vector<16xi32>], vector<16xf32>,
    %swap3A_100 = arith.constant 288 : index
    %swap3A_101 = tpu.vector_load %arg17[%swap3A_100] {strides = array<i32>} : memref<768xf32, #tpu.memory_space<vmem>>, vector<16xf32>,
    tpu.vector_store %arg17[%swap3A_100], %gather3A_99 {strides = array<i32>} : memref<768xf32, #tpu.memory_space<vmem>>, vector<16xf32>,
    %add3A_102 = arith.constant 32768 : i32
    %add3A_103 = vector.broadcast %add3A_102 : i32 to vector<16xi32>
    %add3A_104 = arith.addi %get3A_89, %add3A_103 : vector<16xi32>
    %gather3A_105 = tpu.vector_load_idx %arg14[%add3A_104] : memref<49152xf32, #tpu.memory_space<vmem>>[vector<16xi32>], vector<16xf32>,
    %swap3A_106 = arith.constant 544 : index
    %swap3A_107 = tpu.vector_load %arg17[%swap3A_106] {strides = array<i32>} : memref<768xf32, #tpu.memory_space<vmem>>, vector<16xf32>,
    tpu.vector_store %arg17[%swap3A_106], %gather3A_105 {strides = array<i32>} : memref<768xf32, #tpu.memory_space<vmem>>, vector<16xf32>,
    %get3A_108 = arith.constant 48 : index
    %get3A_109 = tpu.vector_load %arg15[%get3A_108] {strides = array<i32>} : memref<256xi32, #tpu.memory_space<vmem>>, vector<16xi32>,
    %add3A_110 = arith.constant 0 : i32
    %add3A_111 = vector.broadcast %add3A_110 : i32 to vector<16xi32>
    %add3A_112 = arith.addi %get3A_109, %add3A_111 : vector<16xi32>
    %gather3A_113 = tpu.vector_load_idx %arg14[%add3A_112] : memref<49152xf32, #tpu.memory_space<vmem>>[vector<16xi32>], vector<16xf32>,
    %swap3A_114 = arith.constant 48 : index
    %swap3A_115 = tpu.vector_load %arg17[%swap3A_114] {strides = array<i32>} : memref<768xf32, #tpu.memory_space<vmem>>, vector<16xf32>,
    tpu.vector_store %arg17[%swap3A_114], %gather3A_113 {strides = array<i32>} : memref<768xf32, #tpu.memory_space<vmem>>, vector<16xf32>,
    %add3A_116 = arith.constant 16384 : i32
    %add3A_117 = vector.broadcast %add3A_116 : i32 to vector<16xi32>
    %add3A_118 = arith.addi %get3A_109, %add3A_117 : vector<16xi32>
    %gather3A_119 = tpu.vector_load_idx %arg14[%add3A_118] : memref<49152xf32, #tpu.memory_space<vmem>>[vector<16xi32>], vector<16xf32>,
    %swap3A_120 = arith.constant 304 : index
    %swap3A_121 = tpu.vector_load %arg17[%swap3A_120] {strides = array<i32>} : memref<768xf32, #tpu.memory_space<vmem>>, vector<16xf32>,
    tpu.vector_store %arg17[%swap3A_120], %gather3A_119 {strides = array<i32>} : memref<768xf32, #tpu.memory_space<vmem>>, vector<16xf32>,
    %add3A_122 = arith.constant 32768 : i32
    %add3A_123 = vector.broadcast %add3A_122 : i32 to vector<16xi32>
    %add3A_124 = arith.addi %get3A_109, %add3A_123 : vector<16xi32>
    %gather3A_125 = tpu.vector_load_idx %arg14[%add3A_124] : memref<49152xf32, #tpu.memory_space<vmem>>[vector<16xi32>], vector<16xf32>,
    %swap3A_126 = arith.constant 560 : index
    %swap3A_127 = tpu.vector_load %arg17[%swap3A_126] {strides = array<i32>} : memref<768xf32, #tpu.memory_space<vmem>>, vector<16xf32>,
    tpu.vector_store %arg17[%swap3A_126], %gather3A_125 {strides = array<i32>} : memref<768xf32, #tpu.memory_space<vmem>>, vector<16xf32>,
    %get3A_128 = arith.constant 64 : index
    %get3A_129 = tpu.vector_load %arg15[%get3A_128] {strides = array<i32>} : memref<256xi32, #tpu.memory_space<vmem>>, vector<16xi32>,
    %add3A_130 = arith.constant 0 : i32
    %add3A_131 = vector.broadcast %add3A_130 : i32 to vector<16xi32>
    %add3A_132 = arith.addi %get3A_129, %add3A_131 : vector<16xi32>
    %gather3A_133 = tpu.vector_load_idx %arg14[%add3A_132] : memref<49152xf32, #tpu.memory_space<vmem>>[vector<16xi32>], vector<16xf32>,
    %swap3A_134 = arith.constant 64 : index
    %swap3A_135 = tpu.vector_load %arg17[%swap3A_134] {strides = array<i32>} : memref<768xf32, #tpu.memory_space<vmem>>, vector<16xf32>,
    tpu.vector_store %arg17[%swap3A_134], %gather3A_133 {strides = array<i32>} : memref<768xf32, #tpu.memory_space<vmem>>, vector<16xf32>,
    %add3A_136 = arith.constant 16384 : i32
    %add3A_137 = vector.broadcast %add3A_136 : i32 to vector<16xi32>
    %add3A_138 = arith.addi %get3A_129, %add3A_137 : vector<16xi32>
    %gather3A_139 = tpu.vector_load_idx %arg14[%add3A_138] : memref<49152xf32, #tpu.memory_space<vmem>>[vector<16xi32>], vector<16xf32>,
    %swap3A_140 = arith.constant 320 : index
    %swap3A_141 = tpu.vector_load %arg17[%swap3A_140] {strides = array<i32>} : memref<768xf32, #tpu.memory_space<vmem>>, vector<16xf32>,
    tpu.vector_store %arg17[%swap3A_140], %gather3A_139 {strides = array<i32>} : memref<768xf32, #tpu.memory_space<vmem>>, vector<16xf32>,
    %add3A_142 = arith.constant 32768 : i32
    %add3A_143 = vector.broadcast %add3A_142 : i32 to vector<16xi32>
    %add3A_144 = arith.addi %get3A_129, %add3A_143 : vector<16xi32>
    %gather3A_145 = tpu.vector_load_idx %arg14[%add3A_144] : memref<49152xf32, #tpu.memory_space<vmem>>[vector<16xi32>], vector<16xf32>,
    %swap3A_146 = arith.constant 576 : index
    %swap3A_147 = tpu.vector_load %arg17[%swap3A_146] {strides = array<i32>} : memref<768xf32, #tpu.memory_space<vmem>>, vector<16xf32>,
    tpu.vector_store %arg17[%swap3A_146], %gather3A_145 {strides = array<i32>} : memref<768xf32, #tpu.memory_space<vmem>>, vector<16xf32>,
    %get3A_148 = arith.constant 80 : index
    %get3A_149 = tpu.vector_load %arg15[%get3A_148] {strides = array<i32>} : memref<256xi32, #tpu.memory_space<vmem>>, vector<16xi32>,
    %add3A_150 = arith.constant 0 : i32
    %add3A_151 = vector.broadcast %add3A_150 : i32 to vector<16xi32>
    %add3A_152 = arith.addi %get3A_149, %add3A_151 : vector<16xi32>
    %gather3A_153 = tpu.vector_load_idx %arg14[%add3A_152] : memref<49152xf32, #tpu.memory_space<vmem>>[vector<16xi32>], vector<16xf32>,
    %swap3A_154 = arith.constant 80 : index
    %swap3A_155 = tpu.vector_load %arg17[%swap3A_154] {strides = array<i32>} : memref<768xf32, #tpu.memory_space<vmem>>, vector<16xf32>,
    tpu.vector_store %arg17[%swap3A_154], %gather3A_153 {strides = array<i32>} : memref<768xf32, #tpu.memory_space<vmem>>, vector<16xf32>,
    %add3A_156 = arith.constant 16384 : i32
    %add3A_157 = vector.broadcast %add3A_156 : i32 to vector<16xi32>
    %add3A_158 = arith.addi %get3A_149, %add3A_157 : vector<16xi32>
    %gather3A_159 = tpu.vector_load_idx %arg14[%add3A_158] : memref<49152xf32, #tpu.memory_space<vmem>>[vector<16xi32>], vector<16xf32>,
    %swap3A_160 = arith.constant 336 : index
    %swap3A_161 = tpu.vector_load %arg17[%swap3A_160] {strides = array<i32>} : memref<768xf32, #tpu.memory_space<vmem>>, vector<16xf32>,
    tpu.vector_store %arg17[%swap3A_160], %gather3A_159 {strides = array<i32>} : memref<768xf32, #tpu.memory_space<vmem>>, vector<16xf32>,
    %add3A_162 = arith.constant 32768 : i32
    %add3A_163 = vector.broadcast %add3A_162 : i32 to vector<16xi32>
    %add3A_164 = arith.addi %get3A_149, %add3A_163 : vector<16xi32>
    %gather3A_165 = tpu.vector_load_idx %arg14[%add3A_164] : memref<49152xf32, #tpu.memory_space<vmem>>[vector<16xi32>], vector<16xf32>,
    %swap3A_166 = arith.constant 592 : index
    %swap3A_167 = tpu.vector_load %arg17[%swap3A_166] {strides = array<i32>} : memref<768xf32, #tpu.memory_space<vmem>>, vector<16xf32>,
    tpu.vector_store %arg17[%swap3A_166], %gather3A_165 {strides = array<i32>} : memref<768xf32, #tpu.memory_space<vmem>>, vector<16xf32>,
    %get3A_168 = arith.constant 96 : index
    %get3A_169 = tpu.vector_load %arg15[%get3A_168] {strides = array<i32>} : memref<256xi32, #tpu.memory_space<vmem>>, vector<16xi32>,
    %add3A_170 = arith.constant 0 : i32
    %add3A_171 = vector.broadcast %add3A_170 : i32 to vector<16xi32>
    %add3A_172 = arith.addi %get3A_169, %add3A_171 : vector<16xi32>
    %gather3A_173 = tpu.vector_load_idx %arg14[%add3A_172] : memref<49152xf32, #tpu.memory_space<vmem>>[vector<16xi32>], vector<16xf32>,
    %swap3A_174 = arith.constant 96 : index
    %swap3A_175 = tpu.vector_load %arg17[%swap3A_174] {strides = array<i32>} : memref<768xf32, #tpu.memory_space<vmem>>, vector<16xf32>,
    tpu.vector_store %arg17[%swap3A_174], %gather3A_173 {strides = array<i32>} : memref<768xf32, #tpu.memory_space<vmem>>, vector<16xf32>,
    %add3A_176 = arith.constant 16384 : i32
    %add3A_177 = vector.broadcast %add3A_176 : i32 to vector<16xi32>
    %add3A_178 = arith.addi %get3A_169, %add3A_177 : vector<16xi32>
    %gather3A_179 = tpu.vector_load_idx %arg14[%add3A_178] : memref<49152xf32, #tpu.memory_space<vmem>>[vector<16xi32>], vector<16xf32>,
    %swap3A_180 = arith.constant 352 : index
    %swap3A_181 = tpu.vector_load %arg17[%swap3A_180] {strides = array<i32>} : memref<768xf32, #tpu.memory_space<vmem>>, vector<16xf32>,
    tpu.vector_store %arg17[%swap3A_180], %gather3A_179 {strides = array<i32>} : memref<768xf32, #tpu.memory_space<vmem>>, vector<16xf32>,
    %add3A_182 = arith.constant 32768 : i32
    %add3A_183 = vector.broadcast %add3A_182 : i32 to vector<16xi32>
    %add3A_184 = arith.addi %get3A_169, %add3A_183 : vector<16xi32>
    %gather3A_185 = tpu.vector_load_idx %arg14[%add3A_184] : memref<49152xf32, #tpu.memory_space<vmem>>[vector<16xi32>], vector<16xf32>,
    %swap3A_186 = arith.constant 608 : index
    %swap3A_187 = tpu.vector_load %arg17[%swap3A_186] {strides = array<i32>} : memref<768xf32, #tpu.memory_space<vmem>>, vector<16xf32>,
    tpu.vector_store %arg17[%swap3A_186], %gather3A_185 {strides = array<i32>} : memref<768xf32, #tpu.memory_space<vmem>>, vector<16xf32>,
    %get3A_188 = arith.constant 112 : index
    %get3A_189 = tpu.vector_load %arg15[%get3A_188] {strides = array<i32>} : memref<256xi32, #tpu.memory_space<vmem>>, vector<16xi32>,
    %add3A_190 = arith.constant 0 : i32
    %add3A_191 = vector.broadcast %add3A_190 : i32 to vector<16xi32>
    %add3A_192 = arith.addi %get3A_189, %add3A_191 : vector<16xi32>
    %gather3A_193 = tpu.vector_load_idx %arg14[%add3A_192] : memref<49152xf32, #tpu.memory_space<vmem>>[vector<16xi32>], vector<16xf32>,
    %swap3A_194 = arith.constant 112 : index
    %swap3A_195 = tpu.vector_load %arg17[%swap3A_194] {strides = array<i32>} : memref<768xf32, #tpu.memory_space<vmem>>, vector<16xf32>,
    tpu.vector_store %arg17[%swap3A_194], %gather3A_193 {strides = array<i32>} : memref<768xf32, #tpu.memory_space<vmem>>, vector<16xf32>,
    %add3A_196 = arith.constant 16384 : i32
    %add3A_197 = vector.broadcast %add3A_196 : i32 to vector<16xi32>
    %add3A_198 = arith.addi %get3A_189, %add3A_197 : vector<16xi32>
    %gather3A_199 = tpu.vector_load_idx %arg14[%add3A_198] : memref<49152xf32, #tpu.memory_space<vmem>>[vector<16xi32>], vector<16xf32>,
    %swap3A_200 = arith.constant 368 : index
    %swap3A_201 = tpu.vector_load %arg17[%swap3A_200] {strides = array<i32>} : memref<768xf32, #tpu.memory_space<vmem>>, vector<16xf32>,
    tpu.vector_store %arg17[%swap3A_200], %gather3A_199 {strides = array<i32>} : memref<768xf32, #tpu.memory_space<vmem>>, vector<16xf32>,
    %add3A_202 = arith.constant 32768 : i32
    %add3A_203 = vector.broadcast %add3A_202 : i32 to vector<16xi32>
    %add3A_204 = arith.addi %get3A_189, %add3A_203 : vector<16xi32>
    %gather3A_205 = tpu.vector_load_idx %arg14[%add3A_204] : memref<49152xf32, #tpu.memory_space<vmem>>[vector<16xi32>], vector<16xf32>,
    %swap3A_206 = arith.constant 624 : index
    %swap3A_207 = tpu.vector_load %arg17[%swap3A_206] {strides = array<i32>} : memref<768xf32, #tpu.memory_space<vmem>>, vector<16xf32>,
    tpu.vector_store %arg17[%swap3A_206], %gather3A_205 {strides = array<i32>} : memref<768xf32, #tpu.memory_space<vmem>>, vector<16xf32>,
    %get3A_208 = arith.constant 128 : index
    %get3A_209 = tpu.vector_load %arg15[%get3A_208] {strides = array<i32>} : memref<256xi32, #tpu.memory_space<vmem>>, vector<16xi32>,
    %add3A_210 = arith.constant 0 : i32
    %add3A_211 = vector.broadcast %add3A_210 : i32 to vector<16xi32>
    %add3A_212 = arith.addi %get3A_209, %add3A_211 : vector<16xi32>
    %gather3A_213 = tpu.vector_load_idx %arg14[%add3A_212] : memref<49152xf32, #tpu.memory_space<vmem>>[vector<16xi32>], vector<16xf32>,
    %swap3A_214 = arith.constant 128 : index
    %swap3A_215 = tpu.vector_load %arg17[%swap3A_214] {strides = array<i32>} : memref<768xf32, #tpu.memory_space<vmem>>, vector<16xf32>,
    tpu.vector_store %arg17[%swap3A_214], %gather3A_213 {strides = array<i32>} : memref<768xf32, #tpu.memory_space<vmem>>, vector<16xf32>,
    %add3A_216 = arith.constant 16384 : i32
    %add3A_217 = vector.broadcast %add3A_216 : i32 to vector<16xi32>
    %add3A_218 = arith.addi %get3A_209, %add3A_217 : vector<16xi32>
    %gather3A_219 = tpu.vector_load_idx %arg14[%add3A_218] : memref<49152xf32, #tpu.memory_space<vmem>>[vector<16xi32>], vector<16xf32>,
    %swap3A_220 = arith.constant 384 : index
    %swap3A_221 = tpu.vector_load %arg17[%swap3A_220] {strides = array<i32>} : memref<768xf32, #tpu.memory_space<vmem>>, vector<16xf32>,
    tpu.vector_store %arg17[%swap3A_220], %gather3A_219 {strides = array<i32>} : memref<768xf32, #tpu.memory_space<vmem>>, vector<16xf32>,
    %add3A_222 = arith.constant 32768 : i32
    %add3A_223 = vector.broadcast %add3A_222 : i32 to vector<16xi32>
    %add3A_224 = arith.addi %get3A_209, %add3A_223 : vector<16xi32>
    %gather3A_225 = tpu.vector_load_idx %arg14[%add3A_224] : memref<49152xf32, #tpu.memory_space<vmem>>[vector<16xi32>], vector<16xf32>,
    %swap3A_226 = arith.constant 640 : index
    %swap3A_227 = tpu.vector_load %arg17[%swap3A_226] {strides = array<i32>} : memref<768xf32, #tpu.memory_space<vmem>>, vector<16xf32>,
    tpu.vector_store %arg17[%swap3A_226], %gather3A_225 {strides = array<i32>} : memref<768xf32, #tpu.memory_space<vmem>>, vector<16xf32>,
    %get3A_228 = arith.constant 144 : index
    %get3A_229 = tpu.vector_load %arg15[%get3A_228] {strides = array<i32>} : memref<256xi32, #tpu.memory_space<vmem>>, vector<16xi32>,
    %add3A_230 = arith.constant 0 : i32
    %add3A_231 = vector.broadcast %add3A_230 : i32 to vector<16xi32>
    %add3A_232 = arith.addi %get3A_229, %add3A_231 : vector<16xi32>
    %gather3A_233 = tpu.vector_load_idx %arg14[%add3A_232] : memref<49152xf32, #tpu.memory_space<vmem>>[vector<16xi32>], vector<16xf32>,
    %swap3A_234 = arith.constant 144 : index
    %swap3A_235 = tpu.vector_load %arg17[%swap3A_234] {strides = array<i32>} : memref<768xf32, #tpu.memory_space<vmem>>, vector<16xf32>,
    tpu.vector_store %arg17[%swap3A_234], %gather3A_233 {strides = array<i32>} : memref<768xf32, #tpu.memory_space<vmem>>, vector<16xf32>,
    %add3A_236 = arith.constant 16384 : i32
    %add3A_237 = vector.broadcast %add3A_236 : i32 to vector<16xi32>
    %add3A_238 = arith.addi %get3A_229, %add3A_237 : vector<16xi32>
    %gather3A_239 = tpu.vector_load_idx %arg14[%add3A_238] : memref<49152xf32, #tpu.memory_space<vmem>>[vector<16xi32>], vector<16xf32>,
    %swap3A_240 = arith.constant 400 : index
    %swap3A_241 = tpu.vector_load %arg17[%swap3A_240] {strides = array<i32>} : memref<768xf32, #tpu.memory_space<vmem>>, vector<16xf32>,
    tpu.vector_store %arg17[%swap3A_240], %gather3A_239 {strides = array<i32>} : memref<768xf32, #tpu.memory_space<vmem>>, vector<16xf32>,
    %add3A_242 = arith.constant 32768 : i32
    %add3A_243 = vector.broadcast %add3A_242 : i32 to vector<16xi32>
    %add3A_244 = arith.addi %get3A_229, %add3A_243 : vector<16xi32>
    %gather3A_245 = tpu.vector_load_idx %arg14[%add3A_244] : memref<49152xf32, #tpu.memory_space<vmem>>[vector<16xi32>], vector<16xf32>,
    %swap3A_246 = arith.constant 656 : index
    %swap3A_247 = tpu.vector_load %arg17[%swap3A_246] {strides = array<i32>} : memref<768xf32, #tpu.memory_space<vmem>>, vector<16xf32>,
    tpu.vector_store %arg17[%swap3A_246], %gather3A_245 {strides = array<i32>} : memref<768xf32, #tpu.memory_space<vmem>>, vector<16xf32>,
    %get3A_248 = arith.constant 160 : index
    %get3A_249 = tpu.vector_load %arg15[%get3A_248] {strides = array<i32>} : memref<256xi32, #tpu.memory_space<vmem>>, vector<16xi32>,
    %add3A_250 = arith.constant 0 : i32
    %add3A_251 = vector.broadcast %add3A_250 : i32 to vector<16xi32>
    %add3A_252 = arith.addi %get3A_249, %add3A_251 : vector<16xi32>
    %gather3A_253 = tpu.vector_load_idx %arg14[%add3A_252] : memref<49152xf32, #tpu.memory_space<vmem>>[vector<16xi32>], vector<16xf32>,
    %swap3A_254 = arith.constant 160 : index
    %swap3A_255 = tpu.vector_load %arg17[%swap3A_254] {strides = array<i32>} : memref<768xf32, #tpu.memory_space<vmem>>, vector<16xf32>,
    tpu.vector_store %arg17[%swap3A_254], %gather3A_253 {strides = array<i32>} : memref<768xf32, #tpu.memory_space<vmem>>, vector<16xf32>,
    %add3A_256 = arith.constant 16384 : i32
    %add3A_257 = vector.broadcast %add3A_256 : i32 to vector<16xi32>
    %add3A_258 = arith.addi %get3A_249, %add3A_257 : vector<16xi32>
    %gather3A_259 = tpu.vector_load_idx %arg14[%add3A_258] : memref<49152xf32, #tpu.memory_space<vmem>>[vector<16xi32>], vector<16xf32>,
    %swap3A_260 = arith.constant 416 : index
    %swap3A_261 = tpu.vector_load %arg17[%swap3A_260] {strides = array<i32>} : memref<768xf32, #tpu.memory_space<vmem>>, vector<16xf32>,
    tpu.vector_store %arg17[%swap3A_260], %gather3A_259 {strides = array<i32>} : memref<768xf32, #tpu.memory_space<vmem>>, vector<16xf32>,
    %add3A_262 = arith.constant 32768 : i32
    %add3A_263 = vector.broadcast %add3A_262 : i32 to vector<16xi32>
    %add3A_264 = arith.addi %get3A_249, %add3A_263 : vector<16xi32>
    %gather3A_265 = tpu.vector_load_idx %arg14[%add3A_264] : memref<49152xf32, #tpu.memory_space<vmem>>[vector<16xi32>], vector<16xf32>,
    %swap3A_266 = arith.constant 672 : index
    %swap3A_267 = tpu.vector_load %arg17[%swap3A_266] {strides = array<i32>} : memref<768xf32, #tpu.memory_space<vmem>>, vector<16xf32>,
    tpu.vector_store %arg17[%swap3A_266], %gather3A_265 {strides = array<i32>} : memref<768xf32, #tpu.memory_space<vmem>>, vector<16xf32>,
    %get3A_268 = arith.constant 176 : index
    %get3A_269 = tpu.vector_load %arg15[%get3A_268] {strides = array<i32>} : memref<256xi32, #tpu.memory_space<vmem>>, vector<16xi32>,
    %add3A_270 = arith.constant 0 : i32
    %add3A_271 = vector.broadcast %add3A_270 : i32 to vector<16xi32>
    %add3A_272 = arith.addi %get3A_269, %add3A_271 : vector<16xi32>
    %gather3A_273 = tpu.vector_load_idx %arg14[%add3A_272] : memref<49152xf32, #tpu.memory_space<vmem>>[vector<16xi32>], vector<16xf32>,
    %swap3A_274 = arith.constant 176 : index
    %swap3A_275 = tpu.vector_load %arg17[%swap3A_274] {strides = array<i32>} : memref<768xf32, #tpu.memory_space<vmem>>, vector<16xf32>,
    tpu.vector_store %arg17[%swap3A_274], %gather3A_273 {strides = array<i32>} : memref<768xf32, #tpu.memory_space<vmem>>, vector<16xf32>,
    %add3A_276 = arith.constant 16384 : i32
    %add3A_277 = vector.broadcast %add3A_276 : i32 to vector<16xi32>
    %add3A_278 = arith.addi %get3A_269, %add3A_277 : vector<16xi32>
    %gather3A_279 = tpu.vector_load_idx %arg14[%add3A_278] : memref<49152xf32, #tpu.memory_space<vmem>>[vector<16xi32>], vector<16xf32>,
    %swap3A_280 = arith.constant 432 : index
    %swap3A_281 = tpu.vector_load %arg17[%swap3A_280] {strides = array<i32>} : memref<768xf32, #tpu.memory_space<vmem>>, vector<16xf32>,
    tpu.vector_store %arg17[%swap3A_280], %gather3A_279 {strides = array<i32>} : memref<768xf32, #tpu.memory_space<vmem>>, vector<16xf32>,
    %add3A_282 = arith.constant 32768 : i32
    %add3A_283 = vector.broadcast %add3A_282 : i32 to vector<16xi32>
    %add3A_284 = arith.addi %get3A_269, %add3A_283 : vector<16xi32>
    %gather3A_285 = tpu.vector_load_idx %arg14[%add3A_284] : memref<49152xf32, #tpu.memory_space<vmem>>[vector<16xi32>], vector<16xf32>,
    %swap3A_286 = arith.constant 688 : index
    %swap3A_287 = tpu.vector_load %arg17[%swap3A_286] {strides = array<i32>} : memref<768xf32, #tpu.memory_space<vmem>>, vector<16xf32>,
    tpu.vector_store %arg17[%swap3A_286], %gather3A_285 {strides = array<i32>} : memref<768xf32, #tpu.memory_space<vmem>>, vector<16xf32>,
    %get3A_288 = arith.constant 192 : index
    %get3A_289 = tpu.vector_load %arg15[%get3A_288] {strides = array<i32>} : memref<256xi32, #tpu.memory_space<vmem>>, vector<16xi32>,
    %add3A_290 = arith.constant 0 : i32
    %add3A_291 = vector.broadcast %add3A_290 : i32 to vector<16xi32>
    %add3A_292 = arith.addi %get3A_289, %add3A_291 : vector<16xi32>
    %gather3A_293 = tpu.vector_load_idx %arg14[%add3A_292] : memref<49152xf32, #tpu.memory_space<vmem>>[vector<16xi32>], vector<16xf32>,
    %swap3A_294 = arith.constant 192 : index
    %swap3A_295 = tpu.vector_load %arg17[%swap3A_294] {strides = array<i32>} : memref<768xf32, #tpu.memory_space<vmem>>, vector<16xf32>,
    tpu.vector_store %arg17[%swap3A_294], %gather3A_293 {strides = array<i32>} : memref<768xf32, #tpu.memory_space<vmem>>, vector<16xf32>,
    %add3A_296 = arith.constant 16384 : i32
    %add3A_297 = vector.broadcast %add3A_296 : i32 to vector<16xi32>
    %add3A_298 = arith.addi %get3A_289, %add3A_297 : vector<16xi32>
    %gather3A_299 = tpu.vector_load_idx %arg14[%add3A_298] : memref<49152xf32, #tpu.memory_space<vmem>>[vector<16xi32>], vector<16xf32>,
    %swap3A_300 = arith.constant 448 : index
    %swap3A_301 = tpu.vector_load %arg17[%swap3A_300] {strides = array<i32>} : memref<768xf32, #tpu.memory_space<vmem>>, vector<16xf32>,
    tpu.vector_store %arg17[%swap3A_300], %gather3A_299 {strides = array<i32>} : memref<768xf32, #tpu.memory_space<vmem>>, vector<16xf32>,
    %add3A_302 = arith.constant 32768 : i32
    %add3A_303 = vector.broadcast %add3A_302 : i32 to vector<16xi32>
    %add3A_304 = arith.addi %get3A_289, %add3A_303 : vector<16xi32>
    %gather3A_305 = tpu.vector_load_idx %arg14[%add3A_304] : memref<49152xf32, #tpu.memory_space<vmem>>[vector<16xi32>], vector<16xf32>,
    %swap3A_306 = arith.constant 704 : index
    %swap3A_307 = tpu.vector_load %arg17[%swap3A_306] {strides = array<i32>} : memref<768xf32, #tpu.memory_space<vmem>>, vector<16xf32>,
    tpu.vector_store %arg17[%swap3A_306], %gather3A_305 {strides = array<i32>} : memref<768xf32, #tpu.memory_space<vmem>>, vector<16xf32>,
    %get3A_308 = arith.constant 208 : index
    %get3A_309 = tpu.vector_load %arg15[%get3A_308] {strides = array<i32>} : memref<256xi32, #tpu.memory_space<vmem>>, vector<16xi32>,
    %add3A_310 = arith.constant 0 : i32
    %add3A_311 = vector.broadcast %add3A_310 : i32 to vector<16xi32>
    %add3A_312 = arith.addi %get3A_309, %add3A_311 : vector<16xi32>
    %gather3A_313 = tpu.vector_load_idx %arg14[%add3A_312] : memref<49152xf32, #tpu.memory_space<vmem>>[vector<16xi32>], vector<16xf32>,
    %swap3A_314 = arith.constant 208 : index
    %swap3A_315 = tpu.vector_load %arg17[%swap3A_314] {strides = array<i32>} : memref<768xf32, #tpu.memory_space<vmem>>, vector<16xf32>,
    tpu.vector_store %arg17[%swap3A_314], %gather3A_313 {strides = array<i32>} : memref<768xf32, #tpu.memory_space<vmem>>, vector<16xf32>,
    %add3A_316 = arith.constant 16384 : i32
    %add3A_317 = vector.broadcast %add3A_316 : i32 to vector<16xi32>
    %add3A_318 = arith.addi %get3A_309, %add3A_317 : vector<16xi32>
    %gather3A_319 = tpu.vector_load_idx %arg14[%add3A_318] : memref<49152xf32, #tpu.memory_space<vmem>>[vector<16xi32>], vector<16xf32>,
    %swap3A_320 = arith.constant 464 : index
    %swap3A_321 = tpu.vector_load %arg17[%swap3A_320] {strides = array<i32>} : memref<768xf32, #tpu.memory_space<vmem>>, vector<16xf32>,
    tpu.vector_store %arg17[%swap3A_320], %gather3A_319 {strides = array<i32>} : memref<768xf32, #tpu.memory_space<vmem>>, vector<16xf32>,
    %add3A_322 = arith.constant 32768 : i32
    %add3A_323 = vector.broadcast %add3A_322 : i32 to vector<16xi32>
    %add3A_324 = arith.addi %get3A_309, %add3A_323 : vector<16xi32>
    %gather3A_325 = tpu.vector_load_idx %arg14[%add3A_324] : memref<49152xf32, #tpu.memory_space<vmem>>[vector<16xi32>], vector<16xf32>,
    %swap3A_326 = arith.constant 720 : index
    %swap3A_327 = tpu.vector_load %arg17[%swap3A_326] {strides = array<i32>} : memref<768xf32, #tpu.memory_space<vmem>>, vector<16xf32>,
    tpu.vector_store %arg17[%swap3A_326], %gather3A_325 {strides = array<i32>} : memref<768xf32, #tpu.memory_space<vmem>>, vector<16xf32>,
    %get3A_328 = arith.constant 224 : index
    %get3A_329 = tpu.vector_load %arg15[%get3A_328] {strides = array<i32>} : memref<256xi32, #tpu.memory_space<vmem>>, vector<16xi32>,
    %add3A_330 = arith.constant 0 : i32
    %add3A_331 = vector.broadcast %add3A_330 : i32 to vector<16xi32>
    %add3A_332 = arith.addi %get3A_329, %add3A_331 : vector<16xi32>
    %gather3A_333 = tpu.vector_load_idx %arg14[%add3A_332] : memref<49152xf32, #tpu.memory_space<vmem>>[vector<16xi32>], vector<16xf32>,
    %swap3A_334 = arith.constant 224 : index
    %swap3A_335 = tpu.vector_load %arg17[%swap3A_334] {strides = array<i32>} : memref<768xf32, #tpu.memory_space<vmem>>, vector<16xf32>,
    tpu.vector_store %arg17[%swap3A_334], %gather3A_333 {strides = array<i32>} : memref<768xf32, #tpu.memory_space<vmem>>, vector<16xf32>,
    %add3A_336 = arith.constant 16384 : i32
    %add3A_337 = vector.broadcast %add3A_336 : i32 to vector<16xi32>
    %add3A_338 = arith.addi %get3A_329, %add3A_337 : vector<16xi32>
    %gather3A_339 = tpu.vector_load_idx %arg14[%add3A_338] : memref<49152xf32, #tpu.memory_space<vmem>>[vector<16xi32>], vector<16xf32>,
    %swap3A_340 = arith.constant 480 : index
    %swap3A_341 = tpu.vector_load %arg17[%swap3A_340] {strides = array<i32>} : memref<768xf32, #tpu.memory_space<vmem>>, vector<16xf32>,
    tpu.vector_store %arg17[%swap3A_340], %gather3A_339 {strides = array<i32>} : memref<768xf32, #tpu.memory_space<vmem>>, vector<16xf32>,
    %add3A_342 = arith.constant 32768 : i32
    %add3A_343 = vector.broadcast %add3A_342 : i32 to vector<16xi32>
    %add3A_344 = arith.addi %get3A_329, %add3A_343 : vector<16xi32>
    %gather3A_345 = tpu.vector_load_idx %arg14[%add3A_344] : memref<49152xf32, #tpu.memory_space<vmem>>[vector<16xi32>], vector<16xf32>,
    %swap3A_346 = arith.constant 736 : index
    %swap3A_347 = tpu.vector_load %arg17[%swap3A_346] {strides = array<i32>} : memref<768xf32, #tpu.memory_space<vmem>>, vector<16xf32>,
    tpu.vector_store %arg17[%swap3A_346], %gather3A_345 {strides = array<i32>} : memref<768xf32, #tpu.memory_space<vmem>>, vector<16xf32>,
    %get3A_348 = arith.constant 240 : index
    %get3A_349 = tpu.vector_load %arg15[%get3A_348] {strides = array<i32>} : memref<256xi32, #tpu.memory_space<vmem>>, vector<16xi32>,
    %add3A_350 = arith.constant 0 : i32
    %add3A_351 = vector.broadcast %add3A_350 : i32 to vector<16xi32>
    %add3A_352 = arith.addi %get3A_349, %add3A_351 : vector<16xi32>
    %gather3A_353 = tpu.vector_load_idx %arg14[%add3A_352] : memref<49152xf32, #tpu.memory_space<vmem>>[vector<16xi32>], vector<16xf32>,
    %swap3A_354 = arith.constant 240 : index
    %swap3A_355 = tpu.vector_load %arg17[%swap3A_354] {strides = array<i32>} : memref<768xf32, #tpu.memory_space<vmem>>, vector<16xf32>,
    tpu.vector_store %arg17[%swap3A_354], %gather3A_353 {strides = array<i32>} : memref<768xf32, #tpu.memory_space<vmem>>, vector<16xf32>,
    %add3A_356 = arith.constant 16384 : i32
    %add3A_357 = vector.broadcast %add3A_356 : i32 to vector<16xi32>
    %add3A_358 = arith.addi %get3A_349, %add3A_357 : vector<16xi32>
    %gather3A_359 = tpu.vector_load_idx %arg14[%add3A_358] : memref<49152xf32, #tpu.memory_space<vmem>>[vector<16xi32>], vector<16xf32>,
    %swap3A_360 = arith.constant 496 : index
    %swap3A_361 = tpu.vector_load %arg17[%swap3A_360] {strides = array<i32>} : memref<768xf32, #tpu.memory_space<vmem>>, vector<16xf32>,
    tpu.vector_store %arg17[%swap3A_360], %gather3A_359 {strides = array<i32>} : memref<768xf32, #tpu.memory_space<vmem>>, vector<16xf32>,
    %add3A_362 = arith.constant 32768 : i32
    %add3A_363 = vector.broadcast %add3A_362 : i32 to vector<16xi32>
    %add3A_364 = arith.addi %get3A_349, %add3A_363 : vector<16xi32>
    %gather3A_365 = tpu.vector_load_idx %arg14[%add3A_364] : memref<49152xf32, #tpu.memory_space<vmem>>[vector<16xi32>], vector<16xf32>,
    %swap3A_366 = arith.constant 752 : index
    %swap3A_367 = tpu.vector_load %arg17[%swap3A_366] {strides = array<i32>} : memref<768xf32, #tpu.memory_space<vmem>>, vector<16xf32>,
    tpu.vector_store %arg17[%swap3A_366], %gather3A_365 {strides = array<i32>} : memref<768xf32, #tpu.memory_space<vmem>>, vector<16xf32>,
    %mul3A_368 = arith.constant 3 : i32
    %mul3A_369 = arith.muli %add3A, %mul3A_368 : i32
    %add3A_370 = arith.constant 0 : i32
    %add3A_371 = arith.addi %mul3A_369, %add3A_370 : i32
    %mul3A_372 = arith.constant 1024 : i32
    %mul3A_373 = arith.muli %add3A_371, %mul3A_372 : i32
    %add3A_374 = arith.addi %mul3A_373, %mul3A_35 : i32
    "tpu.region"() ({
      %run_scoped3A = tpu.sem_alloc : memref<!tpu.dma_semaphore, #tpu.memory_space<semaphore_mem>>
      %dma_start3A_524 = arith.constant 0 : i32
      %dma_start3A_525 = tpu.memref_slice %arg17[%dma_start3A_524] : memref<768xf32, #tpu.memory_space<vmem>> -> memref<256xf32, #tpu.memory_space<vmem>>
      %dma_start3A_526 = tpu.memref_slice %arg8[%add3A_374] : memref<24576xf32, #tpu.memory_space<hbm>> -> memref<256xf32, #tpu.memory_space<hbm>>
      %dma_start3A_527 = tpu.memref_slice %arg8[%add3A_374] : memref<24576xf32, #tpu.memory_space<hbm>> -> memref<256xf32, #tpu.memory_space<hbm>>
      %dma_start3A_528 = arith.constant 0 : i32
      %dma_start3A_529 = tpu.memref_slice %arg17[%dma_start3A_528] : memref<768xf32, #tpu.memory_space<vmem>> -> memref<256xf32, #tpu.memory_space<vmem>>
      tpu.enqueue_dma source(%dma_start3A_529 : memref<256xf32, #tpu.memory_space<vmem>>) target(%dma_start3A_527 : memref<256xf32, #tpu.memory_space<hbm>>) target_semaphore(%run_scoped3A : memref<!tpu.dma_semaphore, #tpu.memory_space<semaphore_mem>>)
      %dma_wait3A_530 = arith.constant 0 : i32
      %dma_wait3A_531 = tpu.memref_slice %arg17[%dma_wait3A_530] : memref<768xf32, #tpu.memory_space<vmem>> -> memref<256xf32, #tpu.memory_space<vmem>>
      %dma_wait3A_532 = tpu.memref_slice %arg8[%add3A_374] : memref<24576xf32, #tpu.memory_space<hbm>> -> memref<256xf32, #tpu.memory_space<hbm>>
      %dma_wait3A_533 = tpu.memref_slice %arg8[%add3A_374] : memref<24576xf32, #tpu.memory_space<hbm>> -> memref<256xf32, #tpu.memory_space<hbm>>
      %dma_wait3A_534 = arith.constant 0 : i32
      %dma_wait3A_535 = tpu.memref_slice %arg17[%dma_wait3A_534] : memref<768xf32, #tpu.memory_space<vmem>> -> memref<256xf32, #tpu.memory_space<vmem>>
      tpu.wait_dma2 semaphore(%run_scoped3A : memref<!tpu.dma_semaphore, #tpu.memory_space<semaphore_mem>>) src(%dma_wait3A_535 : memref<256xf32, #tpu.memory_space<vmem>>) dst(%dma_wait3A_533 : memref<256xf32, #tpu.memory_space<hbm>>)
      tpu.yield
    }) : () -> ()
    %mul3A_375 = arith.constant 3 : i32
    %mul3A_376 = arith.muli %add3A, %mul3A_375 : i32
    %add3A_377 = arith.constant 1 : i32
    %add3A_378 = arith.addi %mul3A_376, %add3A_377 : i32
    %mul3A_379 = arith.constant 1024 : i32
    %mul3A_380 = arith.muli %add3A_378, %mul3A_379 : i32
    %add3A_381 = arith.addi %mul3A_380, %mul3A_35 : i32
    "tpu.region"() ({
      %run_scoped3A = tpu.sem_alloc : memref<!tpu.dma_semaphore, #tpu.memory_space<semaphore_mem>>
      %dma_start3A_524 = arith.constant 256 : i32
      %dma_start3A_525 = tpu.memref_slice %arg17[%dma_start3A_524] : memref<768xf32, #tpu.memory_space<vmem>> -> memref<256xf32, #tpu.memory_space<vmem>>
      %dma_start3A_526 = tpu.memref_slice %arg8[%add3A_381] : memref<24576xf32, #tpu.memory_space<hbm>> -> memref<256xf32, #tpu.memory_space<hbm>>
      %dma_start3A_527 = tpu.memref_slice %arg8[%add3A_381] : memref<24576xf32, #tpu.memory_space<hbm>> -> memref<256xf32, #tpu.memory_space<hbm>>
      %dma_start3A_528 = arith.constant 256 : i32
      %dma_start3A_529 = tpu.memref_slice %arg17[%dma_start3A_528] : memref<768xf32, #tpu.memory_space<vmem>> -> memref<256xf32, #tpu.memory_space<vmem>>
      tpu.enqueue_dma source(%dma_start3A_529 : memref<256xf32, #tpu.memory_space<vmem>>) target(%dma_start3A_527 : memref<256xf32, #tpu.memory_space<hbm>>) target_semaphore(%run_scoped3A : memref<!tpu.dma_semaphore, #tpu.memory_space<semaphore_mem>>)
      %dma_wait3A_530 = arith.constant 256 : i32
      %dma_wait3A_531 = tpu.memref_slice %arg17[%dma_wait3A_530] : memref<768xf32, #tpu.memory_space<vmem>> -> memref<256xf32, #tpu.memory_space<vmem>>
      %dma_wait3A_532 = tpu.memref_slice %arg8[%add3A_381] : memref<24576xf32, #tpu.memory_space<hbm>> -> memref<256xf32, #tpu.memory_space<hbm>>
      %dma_wait3A_533 = tpu.memref_slice %arg8[%add3A_381] : memref<24576xf32, #tpu.memory_space<hbm>> -> memref<256xf32, #tpu.memory_space<hbm>>
      %dma_wait3A_534 = arith.constant 256 : i32
      %dma_wait3A_535 = tpu.memref_slice %arg17[%dma_wait3A_534] : memref<768xf32, #tpu.memory_space<vmem>> -> memref<256xf32, #tpu.memory_space<vmem>>
      tpu.wait_dma2 semaphore(%run_scoped3A : memref<!tpu.dma_semaphore, #tpu.memory_space<semaphore_mem>>) src(%dma_wait3A_535 : memref<256xf32, #tpu.memory_space<vmem>>) dst(%dma_wait3A_533 : memref<256xf32, #tpu.memory_space<hbm>>)
      tpu.yield
    }) : () -> ()
    %mul3A_382 = arith.constant 3 : i32
    %mul3A_383 = arith.muli %add3A, %mul3A_382 : i32
    %add3A_384 = arith.constant 2 : i32
    %add3A_385 = arith.addi %mul3A_383, %add3A_384 : i32
    %mul3A_386 = arith.constant 1024 : i32
    %mul3A_387 = arith.muli %add3A_385, %mul3A_386 : i32
    %add3A_388 = arith.addi %mul3A_387, %mul3A_35 : i32
    "tpu.region"() ({
      %run_scoped3A = tpu.sem_alloc : memref<!tpu.dma_semaphore, #tpu.memory_space<semaphore_mem>>
      %dma_start3A_524 = arith.constant 512 : i32
      %dma_start3A_525 = tpu.memref_slice %arg17[%dma_start3A_524] : memref<768xf32, #tpu.memory_space<vmem>> -> memref<256xf32, #tpu.memory_space<vmem>>
      %dma_start3A_526 = tpu.memref_slice %arg8[%add3A_388] : memref<24576xf32, #tpu.memory_space<hbm>> -> memref<256xf32, #tpu.memory_space<hbm>>
      %dma_start3A_527 = tpu.memref_slice %arg8[%add3A_388] : memref<24576xf32, #tpu.memory_space<hbm>> -> memref<256xf32, #tpu.memory_space<hbm>>
      %dma_start3A_528 = arith.constant 512 : i32
      %dma_start3A_529 = tpu.memref_slice %arg17[%dma_start3A_528] : memref<768xf32, #tpu.memory_space<vmem>> -> memref<256xf32, #tpu.memory_space<vmem>>
      tpu.enqueue_dma source(%dma_start3A_529 : memref<256xf32, #tpu.memory_space<vmem>>) target(%dma_start3A_527 : memref<256xf32, #tpu.memory_space<hbm>>) target_semaphore(%run_scoped3A : memref<!tpu.dma_semaphore, #tpu.memory_space<semaphore_mem>>)
      %dma_wait3A_530 = arith.constant 512 : i32
      %dma_wait3A_531 = tpu.memref_slice %arg17[%dma_wait3A_530] : memref<768xf32, #tpu.memory_space<vmem>> -> memref<256xf32, #tpu.memory_space<vmem>>
      %dma_wait3A_532 = tpu.memref_slice %arg8[%add3A_388] : memref<24576xf32, #tpu.memory_space<hbm>> -> memref<256xf32, #tpu.memory_space<hbm>>
      %dma_wait3A_533 = tpu.memref_slice %arg8[%add3A_388] : memref<24576xf32, #tpu.memory_space<hbm>> -> memref<256xf32, #tpu.memory_space<hbm>>
      %dma_wait3A_534 = arith.constant 512 : i32
      %dma_wait3A_535 = tpu.memref_slice %arg17[%dma_wait3A_534] : memref<768xf32, #tpu.memory_space<vmem>> -> memref<256xf32, #tpu.memory_space<vmem>>
      tpu.wait_dma2 semaphore(%run_scoped3A : memref<!tpu.dma_semaphore, #tpu.memory_space<semaphore_mem>>) src(%dma_wait3A_535 : memref<256xf32, #tpu.memory_space<vmem>>) dst(%dma_wait3A_533 : memref<256xf32, #tpu.memory_space<hbm>>)
      tpu.yield
    }) : () -> ()
    %get3A_389 = arith.constant 0 : index
    %get3A_390 = tpu.vector_load %arg15[%get3A_389] {strides = array<i32>} : memref<256xi32, #tpu.memory_space<vmem>>, vector<16xi32>,
    %mul3A_391 = arith.constant 16384 : i32
    %mul3A_392 = arith.muli %add3A, %mul3A_391 : i32
    %add3A_393 = vector.broadcast %mul3A_392 : i32 to vector<16xi32>
    %add3A_394 = arith.addi %get3A_390, %add3A_393 : vector<16xi32>
    %swap3A_395 = arith.constant 0 : index
    %swap3A_396 = tpu.vector_load %arg15[%swap3A_395] {strides = array<i32>} : memref<256xi32, #tpu.memory_space<vmem>>, vector<16xi32>,
    tpu.vector_store %arg15[%swap3A_395], %add3A_394 {strides = array<i32>} : memref<256xi32, #tpu.memory_space<vmem>>, vector<16xi32>,
    %get3A_397 = arith.constant 16 : index
    %get3A_398 = tpu.vector_load %arg15[%get3A_397] {strides = array<i32>} : memref<256xi32, #tpu.memory_space<vmem>>, vector<16xi32>,
    %mul3A_399 = arith.constant 16384 : i32
    %mul3A_400 = arith.muli %add3A, %mul3A_399 : i32
    %add3A_401 = vector.broadcast %mul3A_400 : i32 to vector<16xi32>
    %add3A_402 = arith.addi %get3A_398, %add3A_401 : vector<16xi32>
    %swap3A_403 = arith.constant 16 : index
    %swap3A_404 = tpu.vector_load %arg15[%swap3A_403] {strides = array<i32>} : memref<256xi32, #tpu.memory_space<vmem>>, vector<16xi32>,
    tpu.vector_store %arg15[%swap3A_403], %add3A_402 {strides = array<i32>} : memref<256xi32, #tpu.memory_space<vmem>>, vector<16xi32>,
    %get3A_405 = arith.constant 32 : index
    %get3A_406 = tpu.vector_load %arg15[%get3A_405] {strides = array<i32>} : memref<256xi32, #tpu.memory_space<vmem>>, vector<16xi32>,
    %mul3A_407 = arith.constant 16384 : i32
    %mul3A_408 = arith.muli %add3A, %mul3A_407 : i32
    %add3A_409 = vector.broadcast %mul3A_408 : i32 to vector<16xi32>
    %add3A_410 = arith.addi %get3A_406, %add3A_409 : vector<16xi32>
    %swap3A_411 = arith.constant 32 : index
    %swap3A_412 = tpu.vector_load %arg15[%swap3A_411] {strides = array<i32>} : memref<256xi32, #tpu.memory_space<vmem>>, vector<16xi32>,
    tpu.vector_store %arg15[%swap3A_411], %add3A_410 {strides = array<i32>} : memref<256xi32, #tpu.memory_space<vmem>>, vector<16xi32>,
    %get3A_413 = arith.constant 48 : index
    %get3A_414 = tpu.vector_load %arg15[%get3A_413] {strides = array<i32>} : memref<256xi32, #tpu.memory_space<vmem>>, vector<16xi32>,
    %mul3A_415 = arith.constant 16384 : i32
    %mul3A_416 = arith.muli %add3A, %mul3A_415 : i32
    %add3A_417 = vector.broadcast %mul3A_416 : i32 to vector<16xi32>
    %add3A_418 = arith.addi %get3A_414, %add3A_417 : vector<16xi32>
    %swap3A_419 = arith.constant 48 : index
    %swap3A_420 = tpu.vector_load %arg15[%swap3A_419] {strides = array<i32>} : memref<256xi32, #tpu.memory_space<vmem>>, vector<16xi32>,
    tpu.vector_store %arg15[%swap3A_419], %add3A_418 {strides = array<i32>} : memref<256xi32, #tpu.memory_space<vmem>>, vector<16xi32>,
    %get3A_421 = arith.constant 64 : index
    %get3A_422 = tpu.vector_load %arg15[%get3A_421] {strides = array<i32>} : memref<256xi32, #tpu.memory_space<vmem>>, vector<16xi32>,
    %mul3A_423 = arith.constant 16384 : i32
    %mul3A_424 = arith.muli %add3A, %mul3A_423 : i32
    %add3A_425 = vector.broadcast %mul3A_424 : i32 to vector<16xi32>
    %add3A_426 = arith.addi %get3A_422, %add3A_425 : vector<16xi32>
    %swap3A_427 = arith.constant 64 : index
    %swap3A_428 = tpu.vector_load %arg15[%swap3A_427] {strides = array<i32>} : memref<256xi32, #tpu.memory_space<vmem>>, vector<16xi32>,
    tpu.vector_store %arg15[%swap3A_427], %add3A_426 {strides = array<i32>} : memref<256xi32, #tpu.memory_space<vmem>>, vector<16xi32>,
    %get3A_429 = arith.constant 80 : index
    %get3A_430 = tpu.vector_load %arg15[%get3A_429] {strides = array<i32>} : memref<256xi32, #tpu.memory_space<vmem>>, vector<16xi32>,
    %mul3A_431 = arith.constant 16384 : i32
    %mul3A_432 = arith.muli %add3A, %mul3A_431 : i32
    %add3A_433 = vector.broadcast %mul3A_432 : i32 to vector<16xi32>
    %add3A_434 = arith.addi %get3A_430, %add3A_433 : vector<16xi32>
    %swap3A_435 = arith.constant 80 : index
    %swap3A_436 = tpu.vector_load %arg15[%swap3A_435] {strides = array<i32>} : memref<256xi32, #tpu.memory_space<vmem>>, vector<16xi32>,
    tpu.vector_store %arg15[%swap3A_435], %add3A_434 {strides = array<i32>} : memref<256xi32, #tpu.memory_space<vmem>>, vector<16xi32>,
    %get3A_437 = arith.constant 96 : index
    %get3A_438 = tpu.vector_load %arg15[%get3A_437] {strides = array<i32>} : memref<256xi32, #tpu.memory_space<vmem>>, vector<16xi32>,
    %mul3A_439 = arith.constant 16384 : i32
    %mul3A_440 = arith.muli %add3A, %mul3A_439 : i32
    %add3A_441 = vector.broadcast %mul3A_440 : i32 to vector<16xi32>
    %add3A_442 = arith.addi %get3A_438, %add3A_441 : vector<16xi32>
    %swap3A_443 = arith.constant 96 : index
    %swap3A_444 = tpu.vector_load %arg15[%swap3A_443] {strides = array<i32>} : memref<256xi32, #tpu.memory_space<vmem>>, vector<16xi32>,
    tpu.vector_store %arg15[%swap3A_443], %add3A_442 {strides = array<i32>} : memref<256xi32, #tpu.memory_space<vmem>>, vector<16xi32>,
    %get3A_445 = arith.constant 112 : index
    %get3A_446 = tpu.vector_load %arg15[%get3A_445] {strides = array<i32>} : memref<256xi32, #tpu.memory_space<vmem>>, vector<16xi32>,
    %mul3A_447 = arith.constant 16384 : i32
    %mul3A_448 = arith.muli %add3A, %mul3A_447 : i32
    %add3A_449 = vector.broadcast %mul3A_448 : i32 to vector<16xi32>
    %add3A_450 = arith.addi %get3A_446, %add3A_449 : vector<16xi32>
    %swap3A_451 = arith.constant 112 : index
    %swap3A_452 = tpu.vector_load %arg15[%swap3A_451] {strides = array<i32>} : memref<256xi32, #tpu.memory_space<vmem>>, vector<16xi32>,
    tpu.vector_store %arg15[%swap3A_451], %add3A_450 {strides = array<i32>} : memref<256xi32, #tpu.memory_space<vmem>>, vector<16xi32>,
    %get3A_453 = arith.constant 128 : index
    %get3A_454 = tpu.vector_load %arg15[%get3A_453] {strides = array<i32>} : memref<256xi32, #tpu.memory_space<vmem>>, vector<16xi32>,
    %mul3A_455 = arith.constant 16384 : i32
    %mul3A_456 = arith.muli %add3A, %mul3A_455 : i32
    %add3A_457 = vector.broadcast %mul3A_456 : i32 to vector<16xi32>
    %add3A_458 = arith.addi %get3A_454, %add3A_457 : vector<16xi32>
    %swap3A_459 = arith.constant 128 : index
    %swap3A_460 = tpu.vector_load %arg15[%swap3A_459] {strides = array<i32>} : memref<256xi32, #tpu.memory_space<vmem>>, vector<16xi32>,
    tpu.vector_store %arg15[%swap3A_459], %add3A_458 {strides = array<i32>} : memref<256xi32, #tpu.memory_space<vmem>>, vector<16xi32>,
    %get3A_461 = arith.constant 144 : index
    %get3A_462 = tpu.vector_load %arg15[%get3A_461] {strides = array<i32>} : memref<256xi32, #tpu.memory_space<vmem>>, vector<16xi32>,
    %mul3A_463 = arith.constant 16384 : i32
    %mul3A_464 = arith.muli %add3A, %mul3A_463 : i32
    %add3A_465 = vector.broadcast %mul3A_464 : i32 to vector<16xi32>
    %add3A_466 = arith.addi %get3A_462, %add3A_465 : vector<16xi32>
    %swap3A_467 = arith.constant 144 : index
    %swap3A_468 = tpu.vector_load %arg15[%swap3A_467] {strides = array<i32>} : memref<256xi32, #tpu.memory_space<vmem>>, vector<16xi32>,
    tpu.vector_store %arg15[%swap3A_467], %add3A_466 {strides = array<i32>} : memref<256xi32, #tpu.memory_space<vmem>>, vector<16xi32>,
    %get3A_469 = arith.constant 160 : index
    %get3A_470 = tpu.vector_load %arg15[%get3A_469] {strides = array<i32>} : memref<256xi32, #tpu.memory_space<vmem>>, vector<16xi32>,
    %mul3A_471 = arith.constant 16384 : i32
    %mul3A_472 = arith.muli %add3A, %mul3A_471 : i32
    %add3A_473 = vector.broadcast %mul3A_472 : i32 to vector<16xi32>
    %add3A_474 = arith.addi %get3A_470, %add3A_473 : vector<16xi32>
    %swap3A_475 = arith.constant 160 : index
    %swap3A_476 = tpu.vector_load %arg15[%swap3A_475] {strides = array<i32>} : memref<256xi32, #tpu.memory_space<vmem>>, vector<16xi32>,
    tpu.vector_store %arg15[%swap3A_475], %add3A_474 {strides = array<i32>} : memref<256xi32, #tpu.memory_space<vmem>>, vector<16xi32>,
    %get3A_477 = arith.constant 176 : index
    %get3A_478 = tpu.vector_load %arg15[%get3A_477] {strides = array<i32>} : memref<256xi32, #tpu.memory_space<vmem>>, vector<16xi32>,
    %mul3A_479 = arith.constant 16384 : i32
    %mul3A_480 = arith.muli %add3A, %mul3A_479 : i32
    %add3A_481 = vector.broadcast %mul3A_480 : i32 to vector<16xi32>
    %add3A_482 = arith.addi %get3A_478, %add3A_481 : vector<16xi32>
    %swap3A_483 = arith.constant 176 : index
    %swap3A_484 = tpu.vector_load %arg15[%swap3A_483] {strides = array<i32>} : memref<256xi32, #tpu.memory_space<vmem>>, vector<16xi32>,
    tpu.vector_store %arg15[%swap3A_483], %add3A_482 {strides = array<i32>} : memref<256xi32, #tpu.memory_space<vmem>>, vector<16xi32>,
    %get3A_485 = arith.constant 192 : index
    %get3A_486 = tpu.vector_load %arg15[%get3A_485] {strides = array<i32>} : memref<256xi32, #tpu.memory_space<vmem>>, vector<16xi32>,
    %mul3A_487 = arith.constant 16384 : i32
    %mul3A_488 = arith.muli %add3A, %mul3A_487 : i32
    %add3A_489 = vector.broadcast %mul3A_488 : i32 to vector<16xi32>
    %add3A_490 = arith.addi %get3A_486, %add3A_489 : vector<16xi32>
    %swap3A_491 = arith.constant 192 : index
    %swap3A_492 = tpu.vector_load %arg15[%swap3A_491] {strides = array<i32>} : memref<256xi32, #tpu.memory_space<vmem>>, vector<16xi32>,
    tpu.vector_store %arg15[%swap3A_491], %add3A_490 {strides = array<i32>} : memref<256xi32, #tpu.memory_space<vmem>>, vector<16xi32>,
    %get3A_493 = arith.constant 208 : index
    %get3A_494 = tpu.vector_load %arg15[%get3A_493] {strides = array<i32>} : memref<256xi32, #tpu.memory_space<vmem>>, vector<16xi32>,
    %mul3A_495 = arith.constant 16384 : i32
    %mul3A_496 = arith.muli %add3A, %mul3A_495 : i32
    %add3A_497 = vector.broadcast %mul3A_496 : i32 to vector<16xi32>
    %add3A_498 = arith.addi %get3A_494, %add3A_497 : vector<16xi32>
    %swap3A_499 = arith.constant 208 : index
    %swap3A_500 = tpu.vector_load %arg15[%swap3A_499] {strides = array<i32>} : memref<256xi32, #tpu.memory_space<vmem>>, vector<16xi32>,
    tpu.vector_store %arg15[%swap3A_499], %add3A_498 {strides = array<i32>} : memref<256xi32, #tpu.memory_space<vmem>>, vector<16xi32>,
    %get3A_501 = arith.constant 224 : index
    %get3A_502 = tpu.vector_load %arg15[%get3A_501] {strides = array<i32>} : memref<256xi32, #tpu.memory_space<vmem>>, vector<16xi32>,
    %mul3A_503 = arith.constant 16384 : i32
    %mul3A_504 = arith.muli %add3A, %mul3A_503 : i32
    %add3A_505 = vector.broadcast %mul3A_504 : i32 to vector<16xi32>
    %add3A_506 = arith.addi %get3A_502, %add3A_505 : vector<16xi32>
    %swap3A_507 = arith.constant 224 : index
    %swap3A_508 = tpu.vector_load %arg15[%swap3A_507] {strides = array<i32>} : memref<256xi32, #tpu.memory_space<vmem>>, vector<16xi32>,
    tpu.vector_store %arg15[%swap3A_507], %add3A_506 {strides = array<i32>} : memref<256xi32, #tpu.memory_space<vmem>>, vector<16xi32>,
    %get3A_509 = arith.constant 240 : index
    %get3A_510 = tpu.vector_load %arg15[%get3A_509] {strides = array<i32>} : memref<256xi32, #tpu.memory_space<vmem>>, vector<16xi32>,
    %mul3A_511 = arith.constant 16384 : i32
    %mul3A_512 = arith.muli %add3A, %mul3A_511 : i32
    %add3A_513 = vector.broadcast %mul3A_512 : i32 to vector<16xi32>
    %add3A_514 = arith.addi %get3A_510, %add3A_513 : vector<16xi32>
    %swap3A_515 = arith.constant 240 : index
    %swap3A_516 = tpu.vector_load %arg15[%swap3A_515] {strides = array<i32>} : memref<256xi32, #tpu.memory_space<vmem>>, vector<16xi32>,
    tpu.vector_store %arg15[%swap3A_515], %add3A_514 {strides = array<i32>} : memref<256xi32, #tpu.memory_space<vmem>>, vector<16xi32>,
    %dma_start3A = arith.constant 0 : i32
    %dma_start3A_517 = arith.constant 0 : i32
    %dma_start3A_518 = tpu.memref_slice %arg4[%dma_start3A, %dma_start3A_517] : memref<131072x128xf32, #tpu.memory_space<hbm>> -> memref<131072x128xf32, #tpu.memory_space<hbm>>
    tpu.enqueue_indirect_dma source(%dma_start3A_518 : memref<131072x128xf32, #tpu.memory_space<hbm>>) target(%arg16 : memref<256x128xf32, #tpu.memory_space<vmem>>) offsets(%arg15 : memref<256xi32, #tpu.memory_space<vmem>>) semaphore(%arg18 : memref<!tpu.dma_semaphore, #tpu.memory_space<semaphore_mem>>)
    %dma_wait3A = arith.constant 0 : i32
    %dma_wait3A_519 = arith.constant 0 : i32
    %dma_wait3A_520 = tpu.memref_slice %arg4[%dma_wait3A, %dma_wait3A_519] : memref<131072x128xf32, #tpu.memory_space<hbm>> -> memref<131072x128xf32, #tpu.memory_space<hbm>>
    tpu.wait_indirect_dma semaphore(%arg18 : memref<!tpu.dma_semaphore, #tpu.memory_space<semaphore_mem>>) src(%dma_wait3A_520 : memref<131072x128xf32, #tpu.memory_space<hbm>>) dst(%arg16 : memref<256x128xf32, #tpu.memory_space<vmem>>)
    %mul3A_521 = arith.constant 1024 : i32
    %mul3A_522 = arith.muli %add3A, %mul3A_521 : i32
    %add3A_523 = arith.addi %mul3A_522, %mul3A_35 : i32
    "tpu.region"() ({
      %run_scoped3A = tpu.sem_alloc : memref<!tpu.dma_semaphore, #tpu.memory_space<semaphore_mem>>
      %dma_start3A_524 = arith.constant 0 : i32
      %dma_start3A_525 = tpu.memref_slice %arg7[%add3A_523, %dma_start3A_524] : memref<8192x128xf32, #tpu.memory_space<hbm>> -> memref<256x128xf32, #tpu.memory_space<hbm>>
      %dma_start3A_526 = arith.constant 0 : i32
      %dma_start3A_527 = tpu.memref_slice %arg7[%add3A_523, %dma_start3A_526] : memref<8192x128xf32, #tpu.memory_space<hbm>> -> memref<256x128xf32, #tpu.memory_space<hbm>>
      tpu.enqueue_dma source(%arg16 : memref<256x128xf32, #tpu.memory_space<vmem>>) target(%dma_start3A_527 : memref<256x128xf32, #tpu.memory_space<hbm>>) target_semaphore(%run_scoped3A : memref<!tpu.dma_semaphore, #tpu.memory_space<semaphore_mem>>)
      %dma_wait3A_528 = arith.constant 0 : i32
      %dma_wait3A_529 = tpu.memref_slice %arg7[%add3A_523, %dma_wait3A_528] : memref<8192x128xf32, #tpu.memory_space<hbm>> -> memref<256x128xf32, #tpu.memory_space<hbm>>
      %dma_wait3A_530 = arith.constant 0 : i32
      %dma_wait3A_531 = tpu.memref_slice %arg7[%add3A_523, %dma_wait3A_530] : memref<8192x128xf32, #tpu.memory_space<hbm>> -> memref<256x128xf32, #tpu.memory_space<hbm>>
      tpu.wait_dma2 semaphore(%run_scoped3A : memref<!tpu.dma_semaphore, #tpu.memory_space<semaphore_mem>>) src(%arg16 : memref<256x128xf32, #tpu.memory_space<vmem>>) dst(%dma_wait3A_531 : memref<256x128xf32, #tpu.memory_space<hbm>>)
      tpu.yield
    }) : () -> ()
    return
  }
}

module attributes {stable_mosaic.version = 14 : i64} {
  func.func @_thr_body(%arg0: memref<8x16384xi32, #tpu.memory_space<vmem>>, %arg1: memref<8x128xi32, #tpu.memory_space<vmem>>, %arg2: memref<8x128xi32, #tpu.memory_space<vmem>>) attributes {dimension_semantics = [], scalar_prefetch = 0 : i64, scratch_operands = 0 : i64, tpu.core_type = #tpu.core_type<tc>} {
    %get3A = arith.constant 0 : index
    %get3A_0 = arith.constant 0 : index
    %get3A_1 = vector.load %arg0[%get3A, %get3A_0] : memref<8x16384xi32, #tpu.memory_space<vmem>>, vector<8x16384xi32>
    %broadcast_in_dim3A = arith.constant 0 : i32
    %broadcast_in_dim3A_2 = vector.broadcast %broadcast_in_dim3A : i32 to vector<8x1xi32>
    %broadcast_in_dim3A_3 = arith.constant 1065353216 : i32
    %broadcast_in_dim3A_4 = vector.broadcast %broadcast_in_dim3A_3 : i32 to vector<8x1xi32>
    %scan3A = arith.constant 0 : i32
    %scan3A_5 = arith.constant 30 : i32
    %scan3A_6 = arith.addi %scan3A, %scan3A_5 : i32
    %scan3A_7 = arith.constant 1 : i32
    %scan3A_8:2 = scf.for %scan3A_23 = %scan3A to %scan3A_6 step %scan3A_7 iter_args(%scan3A_24 = %broadcast_in_dim3A_2, %scan3A_25 = %broadcast_in_dim3A_4) -> (vector<8x1xi32>, vector<8x1xi32>)  : i32 {
      %add3A = arith.addi %scan3A_24, %scan3A_25 : vector<8x1xi32>
      %shift_right_arithmetic3A = arith.constant 1 : i32
      %shift_right_arithmetic3A_26 = vector.broadcast %shift_right_arithmetic3A : i32 to vector<8x1xi32>
      %shift_right_arithmetic3A_27 = arith.shrsi %add3A, %shift_right_arithmetic3A_26 : vector<8x1xi32>
      %ge3A = vector.broadcast %shift_right_arithmetic3A_27 : vector<8x1xi32> to vector<8x16384xi32>
      %ge3A_28 = arith.cmpi sge, %get3A_1, %ge3A : vector<8x16384xi32>
      %convert_element_type3A_29 = arith.extui %ge3A_28 : vector<8x16384xi1> to vector<8x16384xi32>
      %reduce_sum3A_30 = arith.constant dense<0> : vector<8xi32>
      %reduce_sum3A_31 = vector.multi_reduction <add>, %convert_element_type3A_29, %reduce_sum3A_30 [1] : vector<8x16384xi32> to vector<8xi32>
      %broadcast_in_dim3A_32 = vector.shape_cast %reduce_sum3A_31 : vector<8xi32> to vector<8x1xi32>
      %ge3A_33 = arith.constant 1024 : i32
      %ge3A_34 = vector.broadcast %ge3A_33 : i32 to vector<8x1xi32>
      %ge3A_35 = arith.cmpi sge, %broadcast_in_dim3A_32, %ge3A_34 : vector<8x1xi32>
      %select_n3A = arith.select %ge3A_35, %shift_right_arithmetic3A_27, %scan3A_24 : vector<8x1xi1>, vector<8x1xi32>
      %select_n3A_36 = arith.select %ge3A_35, %scan3A_25, %shift_right_arithmetic3A_27 : vector<8x1xi1>, vector<8x1xi32>
      scf.yield %select_n3A, %select_n3A_36 : vector<8x1xi32>, vector<8x1xi32>
    }
    %gt3A = vector.broadcast %scan3A_8#0 : vector<8x1xi32> to vector<8x16384xi32>
    %gt3A_9 = arith.cmpi sgt, %get3A_1, %gt3A : vector<8x16384xi32>
    %convert_element_type3A = arith.extui %gt3A_9 : vector<8x16384xi1> to vector<8x16384xi32>
    %reduce_sum3A = arith.constant dense<0> : vector<8xi32>
    %reduce_sum3A_10 = vector.multi_reduction <add>, %convert_element_type3A, %reduce_sum3A [1] : vector<8x16384xi32> to vector<8xi32>
    %broadcast_in_dim3A_11 = vector.shape_cast %reduce_sum3A_10 : vector<8xi32> to vector<8x1xi32>
    %broadcast_in_dim3A_12 = vector.shape_cast %scan3A_8#0 : vector<8x1xi32> to vector<8x1xi32>
    %broadcast_in_dim3A_13 = vector.broadcast %broadcast_in_dim3A_12 : vector<8x1xi32> to vector<8x128xi32>
    %swap3A = arith.constant 0 : index
    %swap3A_14 = arith.constant 0 : index
    %swap3A_15 = vector.load %arg1[%swap3A, %swap3A_14] : memref<8x128xi32, #tpu.memory_space<vmem>>, vector<8x128xi32>
    tpu.vector_store %arg1[%swap3A, %swap3A_14], %broadcast_in_dim3A_13 {strides = array<i32>} : memref<8x128xi32, #tpu.memory_space<vmem>>, vector<8x128xi32>,
    %sub3A = arith.constant 1024 : i32
    %sub3A_16 = vector.broadcast %sub3A : i32 to vector<8x1xi32>
    %sub3A_17 = arith.subi %sub3A_16, %broadcast_in_dim3A_11 : vector<8x1xi32>
    %broadcast_in_dim3A_18 = vector.shape_cast %sub3A_17 : vector<8x1xi32> to vector<8x1xi32>
    %broadcast_in_dim3A_19 = vector.broadcast %broadcast_in_dim3A_18 : vector<8x1xi32> to vector<8x128xi32>
    %swap3A_20 = arith.constant 0 : index
    %swap3A_21 = arith.constant 0 : index
    %swap3A_22 = vector.load %arg2[%swap3A_20, %swap3A_21] : memref<8x128xi32, #tpu.memory_space<vmem>>, vector<8x128xi32>
    tpu.vector_store %arg2[%swap3A_20, %swap3A_21], %broadcast_in_dim3A_19 {strides = array<i32>} : memref<8x128xi32, #tpu.memory_space<vmem>>, vector<8x128xi32>,
    return
  }
}

module attributes {stable_mosaic.version = 14 : i64} {
  func.func @_loss_body(%arg0: i32, %arg1: memref<8192x128xf32, #tpu.memory_space<vmem>>, %arg2: memref<8x3x1024xf32, #tpu.memory_space<vmem>>, %arg3: memref<1x1xf32, #tpu.memory_space<smem>>) attributes {dimension_semantics = [#tpu.dimension_semantics<arbitrary>], iteration_bounds = array<i64: 1>, scalar_prefetch = 0 : i64, scratch_operands = 0 : i64, tpu.core_type = #tpu.core_type<tc>, window_params = [{transform_indices = @transform_0, window_bounds = array<i64: 8192, 128>}, {transform_indices = @transform_1, window_bounds = array<i64: 8, 3, 1024>}, {transform_indices = @transform_2, window_bounds = array<i64: 1, 1>}]} {
    %get3A = arith.constant 0 : index
    %get3A_0 = arith.constant 0 : index
    %get3A_1 = vector.load %arg1[%get3A, %get3A_0] : memref<8192x128xf32, #tpu.memory_space<vmem>>, vector<8192x128xf32>
    %reshape3A = vector.shape_cast %get3A_1 : vector<8192x128xf32> to vector<8x1024x128xf32>
    %get3A_2 = arith.constant 0 : index
    %get3A_3 = arith.constant 0 : index
    %get3A_4 = arith.constant 0 : index
    %get3A_5 = vector.load %arg2[%get3A_2, %get3A_3, %get3A_4] : memref<8x3x1024xf32, #tpu.memory_space<vmem>>, vector<8x3x1024xf32>
    %reduce_max3A = arith.constant dense<0xFF800000> : vector<8x1024xf32>
    %reduce_max3A_6 = vector.multi_reduction <maximumf>, %reshape3A, %reduce_max3A [2] : vector<8x1024x128xf32> to vector<8x1024xf32>
    %broadcast_in_dim3A = vector.shape_cast %reduce_max3A_6 : vector<8x1024xf32> to vector<8x1024x1xf32>
    %sub3A = vector.broadcast %broadcast_in_dim3A : vector<8x1024x1xf32> to vector<8x1024x128xf32>
    %sub3A_7 = arith.subf %reshape3A, %sub3A : vector<8x1024x128xf32>
    %exp3A = math.exp %sub3A_7 : vector<8x1024x128xf32>
    %reduce_sum3A = arith.constant dense<0.000000e+00> : vector<8x1024xf32>
    %reduce_sum3A_8 = vector.multi_reduction <add>, %exp3A, %reduce_sum3A [2] : vector<8x1024x128xf32> to vector<8x1024xf32>
    %broadcast_in_dim3A_9 = vector.shape_cast %reduce_sum3A_8 : vector<8x1024xf32> to vector<8x1024x1xf32>
    %log3A = math.log %broadcast_in_dim3A_9 : vector<8x1024x1xf32>
    %add3A = arith.addf %broadcast_in_dim3A, %log3A : vector<8x1024x1xf32>
    %sub3A_10 = vector.broadcast %add3A : vector<8x1024x1xf32> to vector<8x1024x128xf32>
    %sub3A_11 = arith.subf %reshape3A, %sub3A_10 : vector<8x1024x128xf32>
    %div3A = vector.broadcast %broadcast_in_dim3A_9 : vector<8x1024x1xf32> to vector<8x1024x128xf32>
    %div3A_12 = arith.divf %exp3A, %div3A : vector<8x1024x128xf32>
    %reduce_sum3A_13 = arith.constant dense<0.000000e+00> : vector<8x128xf32>
    %reduce_sum3A_14 = vector.multi_reduction <add>, %div3A_12, %reduce_sum3A_13 [1] : vector<8x1024x128xf32> to vector<8x128xf32>
    %broadcast_in_dim3A_15 = vector.shape_cast %reduce_sum3A_14 : vector<8x128xf32> to vector<8x1x128xf32>
    %div3A_16 = arith.constant 1.024000e+03 : f32
    %div3A_17 = vector.broadcast %div3A_16 : f32 to vector<8x1x128xf32>
    %div3A_18 = arith.divf %broadcast_in_dim3A_15, %div3A_17 : vector<8x1x128xf32>
    %jit3A = arith.constant 9.99999993E-9 : f32
    %max3A = vector.broadcast %jit3A : f32 to vector<8x1x128xf32>
    %max3A_19 = arith.maximumf %max3A, %broadcast_in_dim3A_15 : vector<8x1x128xf32>
    %slice3A = vector.extract_strided_slice %get3A_5 {offsets = [0, 0, 0], sizes = [8, 1, 1024], strides = [1, 1, 1]} : vector<8x3x1024xf32> to vector<8x1x1024xf32>
    %squeeze3A = vector.shape_cast %slice3A : vector<8x1x1024xf32> to vector<8x1024xf32>
    %reshape3A_20 = vector.shape_cast %squeeze3A : vector<8x1024xf32> to vector<8x1024x1xf32>
    %slice3A_21 = vector.extract_strided_slice %get3A_5 {offsets = [0, 1, 0], sizes = [8, 1, 1024], strides = [1, 1, 1]} : vector<8x3x1024xf32> to vector<8x1x1024xf32>
    %squeeze3A_22 = vector.shape_cast %slice3A_21 : vector<8x1x1024xf32> to vector<8x1024xf32>
    %reshape3A_23 = vector.shape_cast %squeeze3A_22 : vector<8x1024xf32> to vector<8x1024x1xf32>
    %slice3A_24 = vector.extract_strided_slice %get3A_5 {offsets = [0, 2, 0], sizes = [8, 1, 1024], strides = [1, 1, 1]} : vector<8x3x1024xf32> to vector<8x1x1024xf32>
    %squeeze3A_25 = vector.shape_cast %slice3A_24 : vector<8x1x1024xf32> to vector<8x1024xf32>
    %reshape3A_26 = vector.shape_cast %squeeze3A_25 : vector<8x1024xf32> to vector<8x1024x1xf32>
    %mul3A = vector.broadcast %reshape3A_20 : vector<8x1024x1xf32> to vector<8x1024x128xf32>
    %mul3A_27 = arith.mulf %div3A_12, %mul3A : vector<8x1024x128xf32>
    %reduce_sum3A_28 = arith.constant dense<0.000000e+00> : vector<8x128xf32>
    %reduce_sum3A_29 = vector.multi_reduction <add>, %mul3A_27, %reduce_sum3A_28 [1] : vector<8x1024x128xf32> to vector<8x128xf32>
    %broadcast_in_dim3A_30 = vector.shape_cast %reduce_sum3A_29 : vector<8x128xf32> to vector<8x1x128xf32>
    %div3A_31 = arith.divf %broadcast_in_dim3A_30, %max3A_19 : vector<8x1x128xf32>
    %mul3A_32 = vector.broadcast %reshape3A_23 : vector<8x1024x1xf32> to vector<8x1024x128xf32>
    %mul3A_33 = arith.mulf %div3A_12, %mul3A_32 : vector<8x1024x128xf32>
    %reduce_sum3A_34 = arith.constant dense<0.000000e+00> : vector<8x128xf32>
    %reduce_sum3A_35 = vector.multi_reduction <add>, %mul3A_33, %reduce_sum3A_34 [1] : vector<8x1024x128xf32> to vector<8x128xf32>
    %broadcast_in_dim3A_36 = vector.shape_cast %reduce_sum3A_35 : vector<8x128xf32> to vector<8x1x128xf32>
    %div3A_37 = arith.divf %broadcast_in_dim3A_36, %max3A_19 : vector<8x1x128xf32>
    %mul3A_38 = vector.broadcast %reshape3A_26 : vector<8x1024x1xf32> to vector<8x1024x128xf32>
    %mul3A_39 = arith.mulf %div3A_12, %mul3A_38 : vector<8x1024x128xf32>
    %reduce_sum3A_40 = arith.constant dense<0.000000e+00> : vector<8x128xf32>
    %reduce_sum3A_41 = vector.multi_reduction <add>, %mul3A_39, %reduce_sum3A_40 [1] : vector<8x1024x128xf32> to vector<8x128xf32>
    %broadcast_in_dim3A_42 = vector.shape_cast %reduce_sum3A_41 : vector<8x128xf32> to vector<8x1x128xf32>
    %div3A_43 = arith.divf %broadcast_in_dim3A_42, %max3A_19 : vector<8x1x128xf32>
    %broadcast_in_dim3A_44 = arith.constant 0.000000e+00 : f32
    %broadcast_in_dim3A_45 = vector.broadcast %broadcast_in_dim3A_44 : f32 to vector<8x1024x128xf32>
    %sub3A_46 = vector.broadcast %reshape3A_20 : vector<8x1024x1xf32> to vector<8x1024x128xf32>
    %sub3A_47 = vector.broadcast %div3A_31 : vector<8x1x128xf32> to vector<8x1024x128xf32>
    %sub3A_48 = arith.subf %sub3A_46, %sub3A_47 : vector<8x1024x128xf32>
    %mul3A_49 = arith.mulf %sub3A_48, %sub3A_48 : vector<8x1024x128xf32>
    %add3A_50 = arith.addf %broadcast_in_dim3A_45, %mul3A_49 : vector<8x1024x128xf32>
    %sub3A_51 = vector.broadcast %reshape3A_23 : vector<8x1024x1xf32> to vector<8x1024x128xf32>
    %sub3A_52 = vector.broadcast %div3A_37 : vector<8x1x128xf32> to vector<8x1024x128xf32>
    %sub3A_53 = arith.subf %sub3A_51, %sub3A_52 : vector<8x1024x128xf32>
    %mul3A_54 = arith.mulf %sub3A_53, %sub3A_53 : vector<8x1024x128xf32>
    %add3A_55 = arith.addf %add3A_50, %mul3A_54 : vector<8x1024x128xf32>
    %sub3A_56 = vector.broadcast %reshape3A_26 : vector<8x1024x1xf32> to vector<8x1024x128xf32>
    %sub3A_57 = vector.broadcast %div3A_43 : vector<8x1x128xf32> to vector<8x1024x128xf32>
    %sub3A_58 = arith.subf %sub3A_56, %sub3A_57 : vector<8x1024x128xf32>
    %mul3A_59 = arith.mulf %sub3A_58, %sub3A_58 : vector<8x1024x128xf32>
    %add3A_60 = arith.addf %add3A_55, %mul3A_59 : vector<8x1024x128xf32>
    %neg3A = arith.constant 0.000000e+00 : f32
    %neg3A_61 = vector.broadcast %neg3A : f32 to vector<8x1024x128xf32>
    %neg3A_62 = arith.subf %neg3A_61, %add3A_60 : vector<8x1024x128xf32>
    %div3A_63 = arith.constant 5.000000e-02 : f32
    %div3A_64 = vector.broadcast %div3A_63 : f32 to vector<8x1024x128xf32>
    %div3A_65 = arith.divf %neg3A_62, %div3A_64 : vector<8x1024x128xf32>
    %jit3A_66 = arith.constant 9.99999993E-9 : f32
    %max3A_67 = vector.broadcast %jit3A_66 : f32 to vector<8x1x128xf32>
    %max3A_68 = arith.maximumf %max3A_67, %div3A_18 : vector<8x1x128xf32>
    %log3A_69 = math.log %max3A_68 : vector<8x1x128xf32>
    %log3A_70 = arith.constant 1.024000e+03 : f32
    %log3A_71 = math.log %log3A_70 : f32
    %neg3A_72 = arith.constant 0.000000e+00 : f32
    %neg3A_73 = arith.subf %neg3A_72, %log3A_71 : f32
    %broadcast_in_dim3A_74 = arith.constant 0.000000e+00 : f32
    %broadcast_in_dim3A_75 = vector.broadcast %broadcast_in_dim3A_74 : f32 to vector<8x1024x1xf32>
    %broadcast_in_dim3A_76 = arith.constant 0.000000e+00 : f32
    %broadcast_in_dim3A_77 = vector.broadcast %broadcast_in_dim3A_76 : f32 to vector<8x1x128xf32>
    %scan3A = arith.constant 0 : i32
    %scan3A_78 = arith.constant 25 : i32
    %scan3A_79 = arith.addi %scan3A, %scan3A_78 : i32
    %scan3A_80 = arith.constant 1 : i32
    %scan3A_81:2 = scf.for %scan3A_112 = %scan3A to %scan3A_79 step %scan3A_80 iter_args(%scan3A_113 = %broadcast_in_dim3A_75, %scan3A_114 = %broadcast_in_dim3A_77) -> (vector<8x1024x1xf32>, vector<8x1x128xf32>)  : i32 {
      %add3A_115 = vector.broadcast %scan3A_114 : vector<8x1x128xf32> to vector<8x1024x128xf32>
      %add3A_116 = arith.addf %div3A_65, %add3A_115 : vector<8x1024x128xf32>
      %reduce_max3A_117 = arith.constant dense<0xFF800000> : vector<8x1024xf32>
      %reduce_max3A_118 = vector.multi_reduction <maximumf>, %add3A_116, %reduce_max3A_117 [2] : vector<8x1024x128xf32> to vector<8x1024xf32>
      %broadcast_in_dim3A_119 = vector.shape_cast %reduce_max3A_118 : vector<8x1024xf32> to vector<8x1024x1xf32>
      %sub3A_120 = vector.broadcast %broadcast_in_dim3A_119 : vector<8x1024x1xf32> to vector<8x1024x128xf32>
      %sub3A_121 = arith.subf %add3A_116, %sub3A_120 : vector<8x1024x128xf32>
      %exp3A_122 = math.exp %sub3A_121 : vector<8x1024x128xf32>
      %reduce_sum3A_123 = arith.constant dense<0.000000e+00> : vector<8x1024xf32>
      %reduce_sum3A_124 = vector.multi_reduction <add>, %exp3A_122, %reduce_sum3A_123 [2] : vector<8x1024x128xf32> to vector<8x1024xf32>
      %broadcast_in_dim3A_125 = vector.shape_cast %reduce_sum3A_124 : vector<8x1024xf32> to vector<8x1024x1xf32>
      %log3A_126 = math.log %broadcast_in_dim3A_125 : vector<8x1024x1xf32>
      %add3A_127 = arith.addf %broadcast_in_dim3A_119, %log3A_126 : vector<8x1024x1xf32>
      %sub3A_128 = vector.broadcast %neg3A_73 : f32 to vector<8x1024x1xf32>
      %sub3A_129 = arith.subf %sub3A_128, %add3A_127 : vector<8x1024x1xf32>
      %add3A_130 = vector.broadcast %sub3A_129 : vector<8x1024x1xf32> to vector<8x1024x128xf32>
      %add3A_131 = arith.addf %div3A_65, %add3A_130 : vector<8x1024x128xf32>
      %reduce_max3A_132 = arith.constant dense<0xFF800000> : vector<8x128xf32>
      %reduce_max3A_133 = vector.multi_reduction <maximumf>, %add3A_131, %reduce_max3A_132 [1] : vector<8x1024x128xf32> to vector<8x128xf32>
      %broadcast_in_dim3A_134 = vector.shape_cast %reduce_max3A_133 : vector<8x128xf32> to vector<8x1x128xf32>
      %sub3A_135 = vector.broadcast %broadcast_in_dim3A_134 : vector<8x1x128xf32> to vector<8x1024x128xf32>
      %sub3A_136 = arith.subf %add3A_131, %sub3A_135 : vector<8x1024x128xf32>
      %exp3A_137 = math.exp %sub3A_136 : vector<8x1024x128xf32>
      %reduce_sum3A_138 = arith.constant dense<0.000000e+00> : vector<8x128xf32>
      %reduce_sum3A_139 = vector.multi_reduction <add>, %exp3A_137, %reduce_sum3A_138 [1] : vector<8x1024x128xf32> to vector<8x128xf32>
      %broadcast_in_dim3A_140 = vector.shape_cast %reduce_sum3A_139 : vector<8x128xf32> to vector<8x1x128xf32>
      %log3A_141 = math.log %broadcast_in_dim3A_140 : vector<8x1x128xf32>
      %add3A_142 = arith.addf %broadcast_in_dim3A_134, %log3A_141 : vector<8x1x128xf32>
      %sub3A_143 = arith.subf %log3A_69, %add3A_142 : vector<8x1x128xf32>
      scf.yield %sub3A_129, %sub3A_143 : vector<8x1024x1xf32>, vector<8x1x128xf32>
    }
    %add3A_82 = vector.broadcast %scan3A_81#0 : vector<8x1024x1xf32> to vector<8x1024x128xf32>
    %add3A_83 = arith.addf %div3A_65, %add3A_82 : vector<8x1024x128xf32>
    %add3A_84 = vector.broadcast %scan3A_81#1 : vector<8x1x128xf32> to vector<8x1024x128xf32>
    %add3A_85 = arith.addf %add3A_83, %add3A_84 : vector<8x1024x128xf32>
    %exp3A_86 = math.exp %add3A_85 : vector<8x1024x128xf32>
    %reduce_sum3A_87 = arith.constant dense<0.000000e+00> : vector<8x1024xf32>
    %reduce_sum3A_88 = vector.multi_reduction <add>, %exp3A_86, %reduce_sum3A_87 [2] : vector<8x1024x128xf32> to vector<8x1024xf32>
    %broadcast_in_dim3A_89 = vector.shape_cast %reduce_sum3A_88 : vector<8x1024xf32> to vector<8x1024x1xf32>
    %jit3A_90 = arith.constant 9.99999974E-5 : f32
    %max3A_91 = vector.broadcast %jit3A_90 : f32 to vector<8x1024x1xf32>
    %max3A_92 = arith.maximumf %max3A_91, %broadcast_in_dim3A_89 : vector<8x1024x1xf32>
    %div3A_93 = vector.broadcast %max3A_92 : vector<8x1024x1xf32> to vector<8x1024x128xf32>
    %div3A_94 = arith.divf %exp3A_86, %div3A_93 : vector<8x1024x128xf32>
    %neg3A_95 = arith.constant 0.000000e+00 : f32
    %neg3A_96 = vector.broadcast %neg3A_95 : f32 to vector<8x1024x128xf32>
    %neg3A_97 = arith.subf %neg3A_96, %div3A_94 : vector<8x1024x128xf32>
    %mul3A_98 = arith.mulf %neg3A_97, %sub3A_11 : vector<8x1024x128xf32>
    %reduce_sum3A_99 = vector.shape_cast %mul3A_98 : vector<8x1024x128xf32> to vector<1x8x1024x128xf32>
    %reduce_sum3A_100 = arith.constant dense<0.000000e+00> : vector<1xf32>
    %reduce_sum3A_101 = vector.multi_reduction <add>, %reduce_sum3A_99, %reduce_sum3A_100 [1, 2, 3] : vector<1x8x1024x128xf32> to vector<1xf32>
    %reduce_sum3A_102 = vector.shape_cast %reduce_sum3A_101 : vector<1xf32> to vector<1x1x1x1xf32>
    %reduce_sum3A_103 = vector.extract %reduce_sum3A_102[0, 0, 0, 0] : f32 from vector<1x1x1x1xf32>
    %eq3A = arith.constant 0 : i32
    %eq3A_104 = arith.cmpi eq, %arg0, %eq3A : i32
    %convert_element_type3A = arith.extui %eq3A_104 : i1 to i32
    %cond3A = arith.constant 0 : i32
    %cond3A_105 = arith.cmpi ne, %convert_element_type3A, %cond3A : i32
    scf.if %cond3A_105 {
      %swap3A_112 = arith.constant 0.000000e+00 : f32
      %swap3A_113 = arith.constant 0 : index
      %swap3A_114 = arith.constant 0 : index
      %swap3A_115 = memref.load %arg3[%swap3A_113, %swap3A_114] : memref<1x1xf32, #tpu.memory_space<smem>>
      memref.store %swap3A_112, %arg3[%swap3A_113, %swap3A_114] : memref<1x1xf32, #tpu.memory_space<smem>>
    } else {
    }
    %get3A_106 = arith.constant 0 : index
    %get3A_107 = arith.constant 0 : index
    %get3A_108 = memref.load %arg3[%get3A_106, %get3A_107] : memref<1x1xf32, #tpu.memory_space<smem>>
    %add3A_109 = arith.addf %get3A_108, %reduce_sum3A_103 : f32
    %swap3A = arith.constant 0 : index
    %swap3A_110 = arith.constant 0 : index
    %swap3A_111 = memref.load %arg3[%swap3A, %swap3A_110] : memref<1x1xf32, #tpu.memory_space<smem>>
    memref.store %add3A_109, %arg3[%swap3A, %swap3A_110] : memref<1x1xf32, #tpu.memory_space<smem>>
    return
  }
  func.func @transform_0(%arg0: i32) -> (i32, i32) {
    %c0_i32 = arith.constant 0 : i32
    %c0_i32_0 = arith.constant 0 : i32
    return %arg0, %c0_i32 : i32, i32
  }
  func.func @transform_1(%arg0: i32) -> (i32, i32, i32) {
    %c0_i32 = arith.constant 0 : i32
    %c0_i32_0 = arith.constant 0 : i32
    %c0_i32_1 = arith.constant 0 : i32
    return %arg0, %c0_i32, %c0_i32_0 : i32, i32, i32
  }
  func.func @transform_2(%arg0: i32) -> (i32, i32) {
    %c0_i32 = arith.constant 0 : i32
    %c0_i32_0 = arith.constant 0 : i32
    %c0_i32_1 = arith.constant 0 : i32
    return %c0_i32, %c0_i32_0 : i32, i32
  }
}

</mosaic_0001>

<sc_bundles>
// kernel: kernel.5.cloned.1.call-start
scs
__scs_entry_jumppad:
0x0: {  	(pc) =	sbr.rel $0x88, $3  }
0x1: {  	(tag) =	ssettag $0x0;
	lr =	simm.s32 $0x1  }
0x2: {  	[smem:$0x3F9E] =	sst lr;
	_ =	strace $0xD0000000  }
0x3: {  	_ = 	snop  }
0x4: {  	_ = 	snop  }
0x5: {  	_ = 	snop  }
0x6: {  	_ = 	snop  }
0x7: {  	_ = 	snop  }
__scs_overlays_trampoline_lowered:
0x8: {  	[smem:$0x3FAD] =	sst s0  }
0x9: {  	[smem:$0x3FAE] =	sst s1  }
0xa: {  	[smem:$0x3FAF] =	sst s2  }
0xb: {  	[smem:$0x3FB0] =	sst s3  }
0xc: {  	[smem:$0x3FB1] =	sst s4  }
0xd: {  	[smem:$0x3FB2] =	sst s5  }
0xe: {  	[smem:$0x3FB3] =	sst s6  }
0xf: {  	[smem:$0x3FB4] =	sst s7  }
0x10: {  	[smem:$0x3FB5] =	sst s8  }
0x11: {  	[smem:$0x3FB6] =	sst s9;
	s0 =	simm.s32 @!p0 $0x0  }
0x12: {  	s1 =	sld [smem:$0x3F9C];
	s0 =	simm.s32 @p0 $0x1  }
0x13: {  	[smem:$0x3FB7] =	sst s0;
	s0 =	simm.s32 @!p1 $0x0  }
0x14: {  	s2 =	sld [smem:$0x3F9B];
	s0 =	simm.s32 @p1 $0x1  }
0x15: {  	[smem:$0x3FB8] =	sst s0;
	s0 =	simm.s32 @!p2 $0x0  }
0x16: {  	s3 =	sld [smem:$0x3FDB];
	s0 =	simm.s32 @p2 $0x1  }
0x17: {  	s4 =	simm.s32 $0x1BF5;
	[smem:$0x3FBA] =	sst s0  }
0x18: {  	s0 =	sld [smem:$0x3F9D];
	_ =	swait.ge [sflag:s4], $0x0  }
0x19: {  	s7 =	sld [smem:$0x3F9E]  }
0x1a: {  	s8 =	sadd.s32 $0xFFFFE003, lr  }
0x1b: {  	s9 =	sadd.s32 $0xFFFFFEF7, lr;
	s5 =	simm.s32 $0xFFFFFFFF;
	p2 =	slt.u32 s8, $0xFFFFF086  }
0x1c: {  	p1 =	slt.u32 s9, $0xF7A;
	s5 =	simm.s32 @!p2 $0x0  }
0x1d: {  	s5 =	simm.s32 @p1 $0x1;
	p0 =	seq.s32 s7, s2  }
0x1e: {  	s7 =	smul.u32 @!p0 $0xF7A, s2;
	p2 =	seq.s32 @!p0 s5, $0x0  }
0x1f: {  	s9 =	smul.u32 $0xF7A, s1;
	s8 =	simm.s32 @!p0 $0x1BF5;
	p2 =	por !p2, p0  }
0x20: {  	[sflag:s8] =	ssyncset.s32 @!p0 $0xFFFFF086;
	s6 =	sadd.s32 @!p0 s3, s7;
	s7 =	simm.s32 @!p0 $0x108  }
0x21: {  	s3 =	sadd.s32 s3, s9;
	s6 =	sadd.s32 @!p0 $0x88, s6;
	s7 =	simm.s32 @p2 $0x1082  }
0x22: {  	[simem:s7], [sflag:s8] =	dma.local @!p0 [hbm:s6], $0xF7A  }
0x23: {  	s9 =	sor.u32 $0xD0000000, s2;
	s6 =	simm.s32 $0x108;
	_ =	swait.ge @!p0 [sflag:s8], $0x0  }
0x24: {  	s3 =	sadd.s32 $0x88, s3;
	s6 =	simm.s32 @!p1 $0x1082;
	[sflag:s4] =	ssyncset.s32 $0xFFFFF086  }
0x25: {  	[simem:s6], [sflag:s4] =	dma.local [hbm:s3], $0xF7A  }
0x26: {  	[smem:$0x3F9E] =	sst s1;
	(tag) =	ssettag s2;
	_ =	strace s9  }
0x27: {  	s1 =	sld [smem:$0x3FAE]  }
0x28: {  	s2 =	sld [smem:$0x3FAF]  }
0x29: {  	s4 =	sld [smem:$0x3FB1]  }
0x2a: {  	p0 =	seq.s32 s5, $0x0;
	s5 =	sld [smem:$0x3FB2]  }
0x2b: {  	s6 =	sld [smem:$0x3FB3]  }
0x2c: {  	s7 =	sld [smem:$0x3FB4]  }
0x2d: {  	s3 =	simm.s32 $0x108;
	s8 =	sld [smem:$0x3FB5]  }
0x2e: {  	s3 =	simm.s32 @!p0 $0x1082;
	s9 =	sld [smem:$0x3FB6]  }
0x2f: {  	lr =	sadd.s32 s0, s3;
	s0 =	sld [smem:$0x3FAD]  }
0x30: {  	s3 =	sld [smem:$0x3FB0]  }
0x31: {  	[smem:$0x3FB9] =	sst s10  }
0x32: {  	s10 =	sld [smem:$0x3FB7];
	_ =	sdelay $0x3  }
0x33: {  	p0 =	seq.s32 s10, $0x1;
	s10 =	sld [smem:$0x3FB9];
	_ =	sdelay $0x3  }
0x34: {  	[smem:$0x3FB9] =	sst s10  }
0x35: {  	s10 =	sld [smem:$0x3FB8];
	_ =	sdelay $0x3  }
0x36: {  	p1 =	seq.s32 s10, $0x1;
	s10 =	sld [smem:$0x3FB9];
	_ =	sdelay $0x3  }
0x37: {  	[smem:$0x3FB9] =	sst s10  }
0x38: {  	s10 =	sld [smem:$0x3FBA]  }
0x39: {  	_ = 	snop;
	(pc) =	sbr.ind lr, $3  }
0x3a: {  	_ = 	snop  }
0x3b: {  	_ = 	snop  }
0x3c: {  	p2 =	seq.s32 s10, $0x1;
	s10 =	sld [smem:$0x3FB9]  }
0x3d: {  	_ =	shalt  }
0x3e: {  	_ =	shalt  }
0x3f: {  	_ =	shalt  }
0x40: {  	_ =	shalt  }
0x41: {  	_ =	shalt  }
0x42: {  	_ =	shalt  }
0x43: {  	_ =	shalt  }
0x44: {  	_ =	shalt  }
0x45: {  	_ =	shalt  }
0x46: {  	_ =	shalt  }
0x47: {  	_ =	shalt  }
0x48: {  	_ =	shalt  }
0x49: {  	_ =	shalt  }
0x4a: {  	_ =	shalt  }
0x4b: {  	_ =	shalt  }
0x4c: {  	_ =	shalt  }
0x4d: {  	_ =	shalt  }
0x4e: {  	_ =	shalt  }
0x4f: {  	_ =	shalt  }
0x50: {  	_ =	shalt  }
0x51: {  	_ =	shalt  }
0x52: {  	_ =	shalt  }
0x53: {  	_ =	shalt  }
0x54: {  	_ =	shalt  }
0x55: {  	_ =	shalt  }
0x56: {  	_ =	shalt  }
0x57: {  	_ =	shalt  }
0x58: {  	_ =	shalt  }
0x59: {  	_ =	shalt  }
0x5a: {  	_ =	shalt  }
0x5b: {  	_ =	shalt  }
0x5c: {  	_ =	shalt  }
0x5d: {  	_ =	shalt  }
0x5e: {  	_ =	shalt  }
0x5f: {  	_ =	shalt  }
0x60: {  	_ =	shalt  }
0x61: {  	_ =	shalt  }
0x62: {  	_ =	shalt  }
0x63: {  	_ =	shalt  }
0x64: {  	_ =	shalt  }
0x65: {  	_ =	shalt  }
0x66: {  	_ =	shalt  }
0x67: {  	_ =	shalt  }
0x68: {  	_ =	shalt  }
0x69: {  	_ =	shalt  }
0x6a: {  	_ =	shalt  }
0x6b: {  	_ =	shalt  }
0x6c: {  	_ =	shalt  }
0x6d: {  	_ =	shalt  }
0x6e: {  	_ =	shalt  }
0x6f: {  	_ =	shalt  }
0x70: {  	_ =	shalt  }
0x71: {  	_ =	shalt  }
0x72: {  	_ =	shalt  }
0x73: {  	_ =	shalt  }
0x74: {  	_ =	shalt  }
0x75: {  	_ =	shalt  }
0x76: {  	_ =	shalt  }
0x77: {  	_ =	shalt  }
0x78: {  	_ =	shalt  }
0x79: {  	_ =	shalt  }
0x7a: {  	_ =	shalt  }
0x7b: {  	_ =	shalt  }
0x7c: {  	_ =	shalt  }
0x7d: {  	_ =	shalt  }
0x7e: {  	_ =	shalt  }
0x7f: {  	_ =	shalt  }
0x80: {  	_ =	shalt  }
0x81: {  	_ =	shalt  }
0x82: {  	_ =	shalt  }
0x83: {  	_ =	shalt  }
0x84: {  	_ =	shalt  }
0x85: {  	_ =	shalt  }
0x86: {  	_ =	shalt  }
0x87: {  	_ =	shalt  }
.Lfunc_end0:
.L_simem_size_0:
called_computation_lowered:
.L_overlay_start_0:
0x88: {  	s2 =	sld [smem:$0x3FD9]  }
0x89: {  	s3 =	sld [smem:$0x3FFE];
	_ =	sdelay $0x1  }
0x8a: {  	s1 =	srdreg.scid  }
0x8b: {  	s0 =	sand.u32 $0x1, s1  }
0x8c: {  	s17 =	sshll.u32 s0, $0xA;
	s2 =	sadd.s32 s3, s2  }
0x8d: {  	s2 =	sadd.s32 s2, s17  }
0x8e: {  	[smem:$0x3FC5] =	sst s2  }
0x8f: {  	_ = 	snop  }
0x90: {  	s2 =	sld [smem:$0x3FC8];
	(tm) =	ssettm $0x1  }
0x91: {  	s18 =	sld [smem:$0x3FFB];
	_ =	sdelay $0x3  }
0x92: {  	_ =	strace s18  }
0x93: {  	s3 =	sld [smem:$0x3FFC];
	_ =	sdelay $0x3  }
0x94: {  	_ =	strace s3  }
0x95: {  	s3 =	sld [smem:$0x3FFD];
	_ =	sdelay $0x3  }
0x96: {  	_ =	strace s3  }
0x97: {  	_ =	strace $0x8FFFFFFF  }
0x98: {  	s19 =	sld [smem:$0x3FDB];
	_ =	sdelay $0x1  }
0x99: {  	s4 =	simm.s32 $_scs_section_size  }
0x9a: {  	s5 =	simm.s32 $_size__tile_overlayer_lowered;
	s6 =	simm.s32 $_tile_overlayer_lowered  }
0x9b: {  	s22 =	simm.s32 $0x1BFF;
	s21 =	sshll.u32 s6, $0x1;
	s3 =	sadd.s32 s4, s19  }
0x9c: {  	s7 =	simm.s32 $0x0;
	s20 =	sshll.u32 s5, $0x1;
	s5 =	sadd.s32 s21, s3  }
0x9d: {  	[timem:s7], [sflag:s22] =	dma.local [hbm:s5], s20  }
0x9e: {  	_ =	swait.ge [sflag:s22], s20  }
0x9f: {  	s4 =	ssub.s32 $0x0, s20;
	[sflag:s22] =	ssyncset.done $0x0  }
0xa0: {  	[sflag:s22] =	ssyncadd.s32 s4;
	_ =	sdelay $0x1  }
0xa1: {  	s23 =	simm.s32 $0x1B8B  }
0xa2: {  	_ =	swait.ge [sflag:s23], $0x1  }
0xa3: {  	[sflag:s23] =	ssyncset.done $0x0  }
0xa4: {  	s25 =	simm.s32 $0x1B8E;
	s24 =	sld [smem:$0x3FFE];
	[sflag:s23] =	ssyncadd.s32 $0xFFFFFFFF  }
0xa5: {  	s26 =	simm.s32 $execute0_lowered;
	[smem:$0x3FD2] =	sst s25  }
0xa6: {  	s5 =	sshll.u32 s26, $0x1;
	_ =	strace $0x80000046;
	[dreg:$0x1] =	wrdreg $0xFFFFFFFF  }
0xa7: {  	s28 =	simm.s32 $_size_execute0_lowered;
	s3 =	sadd.s32 s3, s5;
	[dreg:$0x0] =	wrdreg $0x0  }
0xa8: {  	s5 =	sshll.u32 s28, $0x1;
	[dreg:$0x2] =	wrdreg s3  }
0xa9: {  	[dreg:$0x3] =	wrdreg s5  }
0xaa: {  	[dreg:$0x4] =	wrdreg $0xC0  }
0xab: {  	_ =	task [dreg:s7], $0x5FFFF  }
0xac: {  	[dreg:$0x1] =	wrdreg $0xFFFFFFFF  }
0xad: {  	[dreg:$0x0] =	wrdreg $0x60  }
0xae: {  	[dreg:$0x2] =	wrdreg s24  }
0xaf: {  	[dreg:$0x3] =	wrdreg s2  }
0xb0: {  	[dreg:$0x4] =	wrdreg $0x9  }
0xb1: {  	_ =	task.clear_ibuf [dreg:s7], $0x5FFFF;
	_ =	strace $0x90000046  }
0xb2: {  	s29 =	simm.s32 $0x9;
	_ =	strace $0x80000048  }
0xb3: {  	_ =	swait.ge [sflag:s29], $0x1  }
0xb4: {  	[sflag:s29] =	ssyncadd.s32 $0xFFFFFFFF  }
0xb5: {  	_ =	strace $0x90000048  }
0xb6: {  	_ =	sfence  }
0xb7: {  	s30 =	sld [smem:$0x0];
	_ =	sdelay $0x2  }
0xb8: {  	s31 =	sshll.u32 s1, $0xD;
	s1 =	sshrl.u32 s1, $0x2  }
0xb9: {  	s3 =	sand.u32 $0x4000, s31;
	s1 =	sadd.s32 s1, s30  }
0xba: {  	s0 =	sor.u32 s3, s0;
	s1 =	sshll.u32 s1, $0x11  }
0xbb: {  	s0 =	sor.u32 s1, s0  }
0xbc: {  	s0 =	sadd.s32 $0x8F2B, s0  }
0xbd: {  	[sflag:s0] =	ssyncadd.remote.s32 $0x1  }
0xbe: {  	_ =	sfence.sel $0xFFFF  }
0xbf: {  	[dreg:$0x0] =	wrdreg $0xFFFFFFFF;
	(pc) =	sbr.abs _section_cstart, $3  }
0xc0: {  	[dreg:$0x1] =	wrdreg $0xFFFFFFFF  }
0xc1: {  	_ =	task.clear_ibuf [dreg:s7], $0x2FFFF;
	_ =	strace $0x9FFFFFFF  }
0xc2: {  	(tm) =	ssettm $0x7FFFFFFF  }
0xc3: {  	_ =	shalt  }
tec
execute0_lowered:
.L_overlay_start_1:
0x0: {  	(tag) =	ssettag $0x1  }
0x1: {  	s0 =	rddreg [dreg:$0x0]  }
0x2: {  	s1 =	srdreg.scid;
	s18 =	rddreg [dreg:$0x1]  }
0x3: {  	s17 =	stileid.u32;
	s3 =	simm.s32 $0x0;
	s21 =	simm.s32 $0x10580  }
0x4: {  	s22 =	simm.s32 $0x4580;
	s23 =	simm.s32 $0x8580;
	s24 =	simm.s32 $0xC580  }
0x5: {  	s28 =	simm.s32 $0x18880;
	s29 =	simm.s32 $0x100;
	s30 =	simm.s32 $0x10680  }
0x6: {  	s31 =	simm.s32 $0x1;
	s1 =	sand.u32 $0x1, s1;
	s4 =	sshrl.u32 s17, $0x2  }
0x7: {  	[smem:$0x7FF] =	sst s3;
	s7 =	sand.u32 $0x3, s17;
	s14 =	sadd.s32 $0x11E00, s0  }
0x8: {  	p0 =	sgt.u32 s17, $0x3;
	s2 =	sshll.u32 s1, $0x2;
	_ =	strace $0x80000047  }
0x9: {  	s8 =	sshll.u32 s7, $0xC;
	s1 =	ssub.s32 $0x2, s1;
	s5 =	sadd.s32 s17, s2  }
0xa: {  	s2 =	sor.u32 s4, s2;
	s15 =	sadd.s32 s8, s0;
	s13 =	sshrl.u32 s1, $0x1  }
0xb: {  	s17 =	simm.s32 $0x2;
	s6 =	sshll.u32 s5, $0xB;
	s16 =	smul.u32 $0x410, s2  }
0xc: {  	s11 =	sshll.u32 s2, $0xB;
	s12 =	sshll.u32 s5, $0x4;
	s9 =	smul.u32 $0x82, s5  }
0xd: {  	s1 =	ssub.s32 s1, s13;
	s13 =	smul.u32 $0xC00, s2;
	s20 =	sshll.u32 s2, $0xE  }
0xe: {  	s10 =	sadd.s32 s6, s0;
	s11 =	sadd.s32 s11, s0;
	s6 =	sadd.s32 s12, s0  }
0xf: {  	s0 =	sadd.s32 $0x11800, s0;
	s12 =	sshll.u32 s7, $0x8;
	s26 =	sadd.s32 s20, s15  }
0x10: {  	s4 =	sadd.s32 $0x1800, s10;
	s19 =	sadd.s32 $0x1400, s6;
	s6 =	sadd.s32 $0x1600, s6  }
0x11: {  	s8 =	sadd.s32 s12, s16;
	s7 =	sadd.s32 s0, s9;
	s9 =	sadd.s32 $0x5800, s11  }
0x12: {  	s10 =	sadd.s32 $0x9800, s11;
	s11 =	sadd.s32 $0xD800, s11;
	s25 =	sor.u32 s12, s13  }
0x13: {  	s15 =	sadd.s32 $0x12A00, s26;
	s16 =	smax.u32 s1, $0x1;
	[dreg:$0x3] =	wrdreg s4  }
.Ltmp0:
0x14: {  	s26 =	simm.s32 $0x18780;
	[dreg:$0x4] =	wrdreg s19;
	(pc) =	sbr.rel .LBB2_1-.Ltmp0, $4  }
0x15: {  	s8 =	sshrl.u32 s8, $0x3;
	s12 =	sshrl.u32 s25, $0x3;
	s13 =	sadd.s32 $0x400, s25  }
0x16: {  	s2 =	sadd.s32 $0x800, s25;
	s25 =	simm.s32 $0x18680;
	s8 =	sadd.s32 s0, s8  }
0x17: {  	s12 =	sadd.s32 s14, s12;
	s13 =	sshrl.u32 s13, $0x3;
	s2 =	sshrl.u32 s2, $0x3  }
0x18: {  	v1 =	vimm.s32 $0x0;
	v2 =	vlaneseq.u32;
	v0 =	vmov s20;
	s0 =	simm.s32 $0x0;
	s13 =	sadd.s32 s14, s13;
	s14 =	sadd.s32 s14, s2  }
.LBB2_4:
0x19: {  	vm0 =	veq.s32 v5, v3  }
0x1a: {  	v6 =	vsel vm0, $0x1, v1  }
0x1b: {  	(xrf0) =	vadd.scan.msk.s32 $0xffff, v6;
	_ =	sdelay $0x4  }
0x1c: {  	v63, _, _ =	vpop (xrf0);
	s2 =	spop (v2sf)  }
0x1d: {  	s1 =	sadd.s32 s1, s2;
	v7, _, _ =	vpop (xrf0)  }
0x1e: {  	v8 =	vadd.s32 s1, v7  }
0x1f: {  	vm1 =	vle.s32 v8, v4  }
0x20: {  	vm2 =	vgt.s32 v5, v3;
	vm0 =	vmand vm0, vm1  }
0x21: {  	vm0 =	vmor vm2, vm0  }
0x22: {  	v3 =	vsel vm0, $0x1, v1  }
0x23: {  	(xrf0) =	vadd.scan.msk.s32 $0xffff, v3;
	_ =	sdelay $0x1  }
0x24: {  	(v2sf) =	vpush v63, $0xF;
	_ =	sdelay $0x3  }
0x25: {  	(v2sf) =	vpush v7, $0xF;
	v3, _, _ =	vpop (xrf0)  }
0x26: {  	(v2sf) =	vpush v3, $0xF;
	_ =	sdelay $0x9  }
0x27: {  	s4 =	spop (v2sf)  }
0x28: {  	s1 =	sadd.s32 s19, s4;
	v3 =	vor.u32 s18, v2  }
0x29: {  	[tilespmem:s1+$0x4000] =	vst.msk vm0, v3;
	s1 =	simm.s32 $0x4000  }
0x2a: {  	[hbm4b:s7+s3] =	stream.linear.scatter [tilespmem:s1], [sflag:$0x2], $0x410, $0x38;
	[tilespmem:$0x18980] =	vst v63  }
0x2b: {  	s19 =	spop (v2sf)  }
0x2c: {  	s20 =	spop (v2sf)  }
0x2d: {  	_ =	swait.ge [sflag:s17], $0x410  }
0x2e: {  	[sflag:s17] =	ssyncset.done $0x0  }
0x2f: {  	s18 =	smov.u32 s5;
	[sflag:s17] =	ssyncadd.s32 $0xFFFFFBF0  }
.LBB2_5:
0x30: {  	[bflag:$0x0] =	sbarrier.arrive $0xFFFF  }
0x31: {  	[tilespmem:s21], [sflag:$0x2] =	stream.linear.gather [hbm4b:s8+s3], $0x100, $0x38;
	[tilespmem:$0x18980] =	vst v63  }
0x32: {  	_ =	swait.ge [sflag:s17], $0x100  }
0x33: {  	[sflag:s17] =	ssyncset.done $0x0  }
0x34: {  	[sflag:s17] =	ssyncadd.s32 $0xFFFFFF00  }
0x35: {  	[tilespmem:s22], [sflag:$0x2] =	stream.linear.gather [hbm4b:s9+s3], $0x4000, $0x38;
	[tilespmem:$0x18980] =	vst v63  }
0x36: {  	_ =	swait.ge [sflag:s17], $0x4000  }
0x37: {  	[sflag:s17] =	ssyncset.done $0x0  }
0x38: {  	[sflag:s17] =	ssyncadd.s32 $0xFFFFC000  }
0x39: {  	[tilespmem:s23], [sflag:$0x2] =	stream.linear.gather [hbm4b:s10+s3], $0x4000, $0x38;
	[tilespmem:$0x18980] =	vst v63  }
0x3a: {  	_ =	swait.ge [sflag:s17], $0x4000  }
0x3b: {  	[sflag:s17] =	ssyncset.done $0x0  }
0x3c: {  	[sflag:s17] =	ssyncadd.s32 $0xFFFFC000  }
0x3d: {  	[tilespmem:s24], [sflag:$0x2] =	stream.linear.gather [hbm4b:s11+s3], $0x4000, $0x38;
	[tilespmem:$0x18980] =	vst v63  }
0x3e: {  	_ =	swait.ge [sflag:s17], $0x4000  }
0x3f: {  	[sflag:s17] =	ssyncset.done $0x0  }
0x40: {  	[sflag:s17] =	ssyncadd.s32 $0xFFFFC000  }
0x41: {  	v3 =	vld [tilespmem:$0x10580];
	_ =	sdelay $0x7  }
0x42: {  	v4 =	vld.idx.msk [tilespmem:v3+s22+$0x0], $0xffff  }
0x43: {  	v5 =	vadd.s32 $0x4000, v3;
	_ =	sdelay $0x3  }
0x44: {  	[tilespmem:$0x18680] =	vst v4  }
0x45: {  	v4 =	vld.idx.msk [tilespmem:v5+s22+$0x0], $0xffff  }
0x46: {  	v3 =	vadd.s32 $0x8000, v3;
	_ =	sdelay $0x2  }
0x47: {  	v63 =	vld [tilespmem:$0x10590]  }
0x48: {  	[tilespmem:$0x18780] =	vst v4  }
0x49: {  	v3 =	vld.idx.msk [tilespmem:v3+s22+$0x0], $0xffff;
	_ =	sdelay $0x4  }
0x4a: {  	[tilespmem:$0x18880] =	vst v3  }
0x4b: {  	v3 =	vld.idx.msk [tilespmem:v63+s22+$0x0], $0xffff  }
0x4c: {  	v8 =	vadd.s32 $0x4000, v63;
	_ =	sdelay $0x3  }
0x4d: {  	[tilespmem:$0x18690] =	vst v3  }
0x4e: {  	v3 =	vld.idx.msk [tilespmem:v8+s22+$0x0], $0xffff  }
0x4f: {  	v9 =	vadd.s32 $0x8000, v63;
	_ =	sdelay $0x2  }
0x50: {  	v10 =	vld [tilespmem:$0x105A0]  }
0x51: {  	[tilespmem:$0x18790] =	vst v3  }
0x52: {  	v3 =	vld.idx.msk [tilespmem:v9+s22+$0x0], $0xffff;
	_ =	sdelay $0x4  }
0x53: {  	[tilespmem:$0x18890] =	vst v3  }
0x54: {  	v3 =	vld.idx.msk [tilespmem:v10+s22+$0x0], $0xffff  }
0x55: {  	v11 =	vadd.s32 $0x4000, v10;
	_ =	sdelay $0x3  }
0x56: {  	[tilespmem:$0x186A0] =	vst v3  }
0x57: {  	v3 =	vld.idx.msk [tilespmem:v11+s22+$0x0], $0xffff  }
0x58: {  	v12 =	vadd.s32 $0x8000, v10;
	_ =	sdelay $0x2  }
0x59: {  	v13 =	vld [tilespmem:$0x105B0]  }
0x5a: {  	[tilespmem:$0x187A0] =	vst v3  }
0x5b: {  	v3 =	vld.idx.msk [tilespmem:v12+s22+$0x0], $0xffff;
	_ =	sdelay $0x4  }
0x5c: {  	[tilespmem:$0x188A0] =	vst v3  }
0x5d: {  	v3 =	vld.idx.msk [tilespmem:v13+s22+$0x0], $0xffff  }
0x5e: {  	v14 =	vadd.s32 $0x4000, v13;
	_ =	sdelay $0x3  }
0x5f: {  	[tilespmem:$0x186B0] =	vst v3  }
0x60: {  	v3 =	vld.idx.msk [tilespmem:v14+s22+$0x0], $0xffff  }
0x61: {  	v15 =	vadd.s32 $0x8000, v13;
	_ =	sdelay $0x2  }
0x62: {  	v16 =	vld [tilespmem:$0x105C0]  }
0x63: {  	[tilespmem:$0x187B0] =	vst v3  }
0x64: {  	v3 =	vld.idx.msk [tilespmem:v15+s22+$0x0], $0xffff;
	_ =	sdelay $0x4  }
0x65: {  	[tilespmem:$0x188B0] =	vst v3  }
0x66: {  	v3 =	vld.idx.msk [tilespmem:v16+s22+$0x0], $0xffff  }
0x67: {  	v17 =	vadd.s32 $0x4000, v16;
	_ =	sdelay $0x3  }
0x68: {  	[tilespmem:$0x186C0] =	vst v3  }
0x69: {  	v3 =	vld.idx.msk [tilespmem:v17+s22+$0x0], $0xffff  }
0x6a: {  	v18 =	vadd.s32 $0x8000, v16;
	_ =	sdelay $0x2  }
0x6b: {  	v19 =	vld [tilespmem:$0x105D0]  }
0x6c: {  	[tilespmem:$0x187C0] =	vst v3  }
0x6d: {  	v3 =	vld.idx.msk [tilespmem:v18+s22+$0x0], $0xffff;
	_ =	sdelay $0x4  }
0x6e: {  	[tilespmem:$0x188C0] =	vst v3  }
0x6f: {  	v3 =	vld.idx.msk [tilespmem:v19+s22+$0x0], $0xffff  }
0x70: {  	v20 =	vadd.s32 $0x4000, v19;
	_ =	sdelay $0x3  }
0x71: {  	[tilespmem:$0x186D0] =	vst v3  }
0x72: {  	v3 =	vld.idx.msk [tilespmem:v20+s22+$0x0], $0xffff  }
0x73: {  	v21 =	vadd.s32 $0x8000, v19;
	_ =	sdelay $0x2  }
0x74: {  	v22 =	vld [tilespmem:$0x105E0]  }
0x75: {  	[tilespmem:$0x187D0] =	vst v3  }
0x76: {  	v3 =	vld.idx.msk [tilespmem:v21+s22+$0x0], $0xffff;
	_ =	sdelay $0x4  }
0x77: {  	[tilespmem:$0x188D0] =	vst v3  }
0x78: {  	v3 =	vld.idx.msk [tilespmem:v22+s22+$0x0], $0xffff  }
0x79: {  	v23 =	vadd.s32 $0x4000, v22;
	_ =	sdelay $0x3  }
0x7a: {  	[tilespmem:$0x186E0] =	vst v3  }
0x7b: {  	v3 =	vld.idx.msk [tilespmem:v23+s22+$0x0], $0xffff  }
0x7c: {  	v24 =	vadd.s32 $0x8000, v22;
	_ =	sdelay $0x2  }
0x7d: {  	v25 =	vld [tilespmem:$0x105F0]  }
0x7e: {  	[tilespmem:$0x187E0] =	vst v3  }
0x7f: {  	v3 =	vld.idx.msk [tilespmem:v24+s22+$0x0], $0xffff;
	_ =	sdelay $0x4  }
0x80: {  	[tilespmem:$0x188E0] =	vst v3  }
0x81: {  	v3 =	vld.idx.msk [tilespmem:v25+s22+$0x0], $0xffff  }
0x82: {  	v26 =	vadd.s32 $0x4000, v25;
	_ =	sdelay $0x3  }
0x83: {  	[tilespmem:$0x186F0] =	vst v3  }
0x84: {  	v3 =	vld.idx.msk [tilespmem:v26+s22+$0x0], $0xffff  }
0x85: {  	v27 =	vadd.s32 $0x8000, v25;
	_ =	sdelay $0x2  }
0x86: {  	v28 =	vld [tilespmem:$0x10600]  }
0x87: {  	[tilespmem:$0x187F0] =	vst v3  }
0x88: {  	v3 =	vld.idx.msk [tilespmem:v27+s22+$0x0], $0xffff;
	_ =	sdelay $0x4  }
0x89: {  	[tilespmem:$0x188F0] =	vst v3  }
0x8a: {  	v3 =	vld.idx.msk [tilespmem:v28+s22+$0x0], $0xffff  }
0x8b: {  	v29 =	vadd.s32 $0x4000, v28;
	_ =	sdelay $0x3  }
0x8c: {  	[tilespmem:$0x18700] =	vst v3  }
0x8d: {  	v3 =	vld.idx.msk [tilespmem:v29+s22+$0x0], $0xffff  }
0x8e: {  	v30 =	vadd.s32 $0x8000, v28;
	_ =	sdelay $0x2  }
0x8f: {  	v31 =	vld [tilespmem:$0x10610]  }
0x90: {  	[tilespmem:$0x18800] =	vst v3  }
0x91: {  	v3 =	vld.idx.msk [tilespmem:v30+s22+$0x0], $0xffff;
	_ =	sdelay $0x4  }
0x92: {  	[tilespmem:$0x18900] =	vst v3  }
0x93: {  	v3 =	vld.idx.msk [tilespmem:v31+s22+$0x0], $0xffff  }
0x94: {  	v32 =	vadd.s32 $0x4000, v31;
	_ =	sdelay $0x3  }
0x95: {  	[tilespmem:$0x18710] =	vst v3  }
0x96: {  	v3 =	vld.idx.msk [tilespmem:v32+s22+$0x0], $0xffff  }
0x97: {  	v33 =	vadd.s32 $0x8000, v31;
	_ =	sdelay $0x2  }
0x98: {  	v34 =	vld [tilespmem:$0x10620]  }
0x99: {  	[tilespmem:$0x18810] =	vst v3  }
0x9a: {  	v3 =	vld.idx.msk [tilespmem:v33+s22+$0x0], $0xffff;
	_ =	sdelay $0x4  }
0x9b: {  	[tilespmem:$0x18910] =	vst v3  }
0x9c: {  	v3 =	vld.idx.msk [tilespmem:v34+s22+$0x0], $0xffff  }
0x9d: {  	v35 =	vadd.s32 $0x4000, v34;
	_ =	sdelay $0x3  }
0x9e: {  	[tilespmem:$0x18720] =	vst v3  }
0x9f: {  	v3 =	vld.idx.msk [tilespmem:v35+s22+$0x0], $0xffff  }
0xa0: {  	v36 =	vadd.s32 $0x8000, v34;
	_ =	sdelay $0x2  }
0xa1: {  	v37 =	vld [tilespmem:$0x10630]  }
0xa2: {  	[tilespmem:$0x18820] =	vst v3  }
0xa3: {  	v3 =	vld.idx.msk [tilespmem:v36+s22+$0x0], $0xffff;
	_ =	sdelay $0x4  }
0xa4: {  	[tilespmem:$0x18920] =	vst v3  }
0xa5: {  	v3 =	vld.idx.msk [tilespmem:v37+s22+$0x0], $0xffff  }
0xa6: {  	v38 =	vadd.s32 $0x4000, v37;
	_ =	sdelay $0x3  }
0xa7: {  	[tilespmem:$0x18730] =	vst v3  }
0xa8: {  	v3 =	vld.idx.msk [tilespmem:v38+s22+$0x0], $0xffff  }
0xa9: {  	v39 =	vadd.s32 $0x8000, v37;
	_ =	sdelay $0x2  }
0xaa: {  	v40 =	vld [tilespmem:$0x10640]  }
0xab: {  	[tilespmem:$0x18830] =	vst v3  }
0xac: {  	v3 =	vld.idx.msk [tilespmem:v39+s22+$0x0], $0xffff;
	_ =	sdelay $0x4  }
0xad: {  	[tilespmem:$0x18930] =	vst v3  }
0xae: {  	v3 =	vld.idx.msk [tilespmem:v40+s22+$0x0], $0xffff  }
0xaf: {  	v41 =	vadd.s32 $0x4000, v40;
	_ =	sdelay $0x3  }
0xb0: {  	[tilespmem:$0x18740] =	vst v3  }
0xb1: {  	v3 =	vld.idx.msk [tilespmem:v41+s22+$0x0], $0xffff  }
0xb2: {  	v42 =	vadd.s32 $0x8000, v40;
	_ =	sdelay $0x2  }
0xb3: {  	v43 =	vld [tilespmem:$0x10650]  }
0xb4: {  	[tilespmem:$0x18840] =	vst v3  }
0xb5: {  	v3 =	vld.idx.msk [tilespmem:v42+s22+$0x0], $0xffff;
	_ =	sdelay $0x4  }
0xb6: {  	[tilespmem:$0x18940] =	vst v3  }
0xb7: {  	v3 =	vld.idx.msk [tilespmem:v43+s22+$0x0], $0xffff  }
0xb8: {  	v44 =	vadd.s32 $0x4000, v43;
	_ =	sdelay $0x3  }
0xb9: {  	[tilespmem:$0x18750] =	vst v3  }
0xba: {  	v3 =	vld.idx.msk [tilespmem:v44+s22+$0x0], $0xffff  }
0xbb: {  	v45 =	vadd.s32 $0x8000, v43;
	_ =	sdelay $0x2  }
0xbc: {  	v46 =	vld [tilespmem:$0x10660]  }
0xbd: {  	[tilespmem:$0x18850] =	vst v3  }
0xbe: {  	v3 =	vld.idx.msk [tilespmem:v45+s22+$0x0], $0xffff;
	_ =	sdelay $0x4  }
0xbf: {  	[tilespmem:$0x18950] =	vst v3  }
0xc0: {  	v3 =	vld.idx.msk [tilespmem:v46+s22+$0x0], $0xffff  }
0xc1: {  	v47 =	vadd.s32 $0x4000, v46;
	_ =	sdelay $0x3  }
0xc2: {  	[tilespmem:$0x18760] =	vst v3  }
0xc3: {  	v3 =	vld.idx.msk [tilespmem:v47+s22+$0x0], $0xffff  }
0xc4: {  	v48 =	vadd.s32 $0x8000, v46;
	_ =	sdelay $0x2  }
0xc5: {  	v49 =	vld [tilespmem:$0x10670]  }
0xc6: {  	[tilespmem:$0x18860] =	vst v3  }
0xc7: {  	v3 =	vld.idx.msk [tilespmem:v48+s22+$0x0], $0xffff;
	_ =	sdelay $0x4  }
0xc8: {  	[tilespmem:$0x18960] =	vst v3  }
0xc9: {  	v3 =	vld.idx.msk [tilespmem:v49+s22+$0x0], $0xffff  }
0xca: {  	v50 =	vadd.s32 $0x4000, v49;
	_ =	sdelay $0x3  }
0xcb: {  	[tilespmem:$0x18770] =	vst v3  }
0xcc: {  	v3 =	vld.idx.msk [tilespmem:v50+s22+$0x0], $0xffff  }
0xcd: {  	v51 =	vadd.s32 $0x8000, v49;
	_ =	sdelay $0x3  }
0xce: {  	[tilespmem:$0x18870] =	vst v3  }
0xcf: {  	v3 =	vld.idx.msk [tilespmem:v51+s22+$0x0], $0xffff;
	_ =	sdelay $0x4  }
0xd0: {  	[tilespmem:$0x18970] =	vst v3  }
0xd1: {  	[hbm4b:s12+s3] =	stream.linear.scatter [tilespmem:s25], [sflag:$0x2], $0x100, $0x38;
	[tilespmem:$0x18980] =	vst v63  }
0xd2: {  	_ =	swait.ge [sflag:s17], $0x100  }
0xd3: {  	[sflag:s17] =	ssyncset.done $0x0  }
0xd4: {  	[sflag:s17] =	ssyncadd.s32 $0xFFFFFF00  }
0xd5: {  	[hbm4b:s13+s3] =	stream.linear.scatter [tilespmem:s26], [sflag:$0x2], $0x100, $0x38;
	[tilespmem:$0x18980] =	vst v63  }
0xd6: {  	_ =	swait.ge [sflag:s17], $0x100  }
0xd7: {  	[sflag:s17] =	ssyncset.done $0x0  }
0xd8: {  	[sflag:s17] =	ssyncadd.s32 $0xFFFFFF00  }
0xd9: {  	[hbm4b:s14+s3] =	stream.linear.scatter [tilespmem:s28], [sflag:$0x2], $0x100, $0x38;
	[tilespmem:$0x18980] =	vst v63  }
0xda: {  	_ =	swait.ge [sflag:s17], $0x100  }
0xdb: {  	[sflag:s17] =	ssyncset.done $0x0  }
0xdc: {  	[sflag:s17] =	ssyncadd.s32 $0xFFFFFF00  }
0xdd: {  	v3 =	vld [tilespmem:$0x10580]  }
0xde: {  	v52 =	vld [tilespmem:$0x10590]  }
0xdf: {  	v53 =	vld [tilespmem:$0x105A0]  }
0xe0: {  	v6 =	vld [tilespmem:$0x105B0]  }
0xe1: {  	v7 =	vld [tilespmem:$0x105C0]  }
0xe2: {  	v8 =	vld [tilespmem:$0x105D0];
	v3 =	vadd.s32 v0, v3  }
0xe3: {  	v54 =	vld [tilespmem:$0x105E0];
	[tilespmem:$0x10580] =	vst v3;
	v3 =	vadd.s32 v0, v52  }
0xe4: {  	v55 =	vld [tilespmem:$0x105F0];
	[tilespmem:$0x10590] =	vst v3;
	v3 =	vadd.s32 v0, v53  }
0xe5: {  	v56 =	vld [tilespmem:$0x10600];
	[tilespmem:$0x105A0] =	vst v3;
	v3 =	vadd.s32 v0, v6  }
0xe6: {  	v57 =	vld [tilespmem:$0x10610];
	[tilespmem:$0x105B0] =	vst v3;
	v3 =	vadd.s32 v0, v7  }
0xe7: {  	v58 =	vld [tilespmem:$0x10620];
	[tilespmem:$0x105C0] =	vst v3;
	v3 =	vadd.s32 v0, v8  }
0xe8: {  	v59 =	vld [tilespmem:$0x10630];
	[tilespmem:$0x105D0] =	vst v3;
	v3 =	vadd.s32 v0, v54  }
0xe9: {  	v60 =	vld [tilespmem:$0x10640];
	[tilespmem:$0x105E0] =	vst v3;
	v3 =	vadd.s32 v0, v55  }
0xea: {  	v61 =	vld [tilespmem:$0x10650];
	[tilespmem:$0x105F0] =	vst v3;
	v3 =	vadd.s32 v0, v56  }
0xeb: {  	v62 =	vld [tilespmem:$0x10660];
	[tilespmem:$0x10600] =	vst v3;
	v3 =	vadd.s32 v0, v57  }
0xec: {  	v63 =	vld [tilespmem:$0x10670];
	[tilespmem:$0x10610] =	vst v3;
	v3 =	vadd.s32 v0, v58  }
0xed: {  	[tilespmem:$0x10620] =	vst v3;
	v3 =	vadd.s32 v0, v59  }
0xee: {  	[tilespmem:$0x10630] =	vst v3;
	v3 =	vadd.s32 v0, v60  }
0xef: {  	[tilespmem:$0x10640] =	vst v3;
	v3 =	vadd.s32 v0, v61  }
0xf0: {  	[tilespmem:$0x10650] =	vst v3;
	v3 =	vadd.s32 v0, v62  }
0xf1: {  	[tilespmem:$0x10660] =	vst v3;
	v3 =	vadd.s32 v0, v63  }
0xf2: {  	[tilespmem:$0x10670] =	vst v3  }
0xf3: {  	[tilespmem:s30], [sflag:$0x1] =	stream.indirect.gather [hbm4b:s18+s29], $0x80, s21, s29, $0xb8;
	[tilespmem:$0x18980] =	vst v63  }
0xf4: {  	s0 =	sadd.s32 $0x1, s0;
	_ =	swait.ge [sflag:s31], $0x8000  }
0xf5: {  	p1 =	sne.s32 s0, s16;
	[sflag:s31] =	ssyncset.done $0x0  }
.Ltmp1:
0xf6: {  	[sflag:s31] =	ssyncadd.s32 $0xFFFF8000;
	(pc) =	sbr.rel @!p1 .LBB2_6-.Ltmp1, $4  }
0xf7: {  	[hbm4b:s15+s3] =	stream.linear.scatter [tilespmem:s30], [sflag:$0x2], $0x8000, $0x38;
	[tilespmem:$0x18980] =	vst v63  }
0xf8: {  	_ =	swait.ge [sflag:s17], $0x8000  }
0xf9: {  	[sflag:s17] =	ssyncset.done $0x0  }
0xfa: {  	[sflag:s17] =	ssyncadd.s32 $0xFFFF8000  }
.LBB2_1:
.Ltmp2:
0xfb: {  	(pc) =	sbr.rel @p0 .LBB2_5-.Ltmp2, $1  }
0xfc: {  	_ =	sdelay $0x3  }
0xfd: {  	s1 =	simm.s32 $0x0;
	s2 =	rddreg [dreg:$0x3]  }
0xfe: {  	[tilespmem:s1], [sflag:$0x2] =	stream.linear.gather [hbm4b:s2+s1], $0x4000, $0x38;
	[tilespmem:$0x18980] =	vst v63  }
0xff: {  	_ =	swait.ge [sflag:s17], $0x4000  }
0x100: {  	[sflag:s17] =	ssyncset.done $0x0  }
0x101: {  	s4 =	simm.s32 $0x4480;
	s19 =	rddreg [dreg:$0x4];
	[sflag:s17] =	ssyncadd.s32 $0xFFFFC000  }
0x102: {  	[tilespmem:s4], [sflag:$0x2] =	stream.linear.gather [hbm4b:s19+s1], $0x10, $0x38;
	[tilespmem:$0x18980] =	vst v63  }
0x103: {  	_ =	swait.ge [sflag:s17], $0x10  }
0x104: {  	[sflag:s17] =	ssyncset.done $0x0  }
0x105: {  	s20 =	simm.s32 $0x4500;
	[sflag:s17] =	ssyncadd.s32 $0xFFFFFFF0  }
0x106: {  	[tilespmem:s20], [sflag:$0x2] =	stream.linear.gather [hbm4b:s6+s1], $0x10, $0x38;
	[tilespmem:$0x18980] =	vst v63  }
0x107: {  	_ =	swait.ge [sflag:s17], $0x10  }
0x108: {  	[sflag:s17] =	ssyncset.done $0x0  }
0x109: {  	[sflag:s17] =	ssyncadd.s32 $0xFFFFFFF0  }
0x10a: {  	v3 =	vld [tilespmem:$0x4480]  }
0x10b: {  	v5 =	vld [tilespmem:s1+$0x0];
	_ =	sdelay $0x4  }
0x10c: {  	vm0 =	veq.s32 v5, v3  }
0x10d: {  	v4 =	vsel vm0, $0x1, v1  }
0x10e: {  	(xrf0) =	vadd.scan.msk.s32 $0xffff, v4;
	_ =	sdelay $0x2  }
0x10f: {  	v4 =	vld [tilespmem:$0x4500];
	_ =	sdelay $0x2  }
0x110: {  	v6, _, _ =	vpop (xrf0)  }
0x111: {  	v7 =	vadd.s32 s1, v6;
	(v2sf) =	vpush v6, $0xF  }
0x112: {  	vm1 =	vle.s32 v7, v4  }
0x113: {  	vm2 =	vgt.s32 v5, v3;
	vm0 =	vmand vm0, vm1  }
0x114: {  	v5 =	vor.u32 s1, v2;
	vm0 =	vmor vm2, vm0  }
0x115: {  	[tilespmem:s1+$0x4000] =	vst.msk vm0, v5;
	v5 =	vsel vm0, $0x1, v1  }
0x116: {  	(xrf0) =	vadd.scan.msk.s32 $0xffff, v5;
	_ =	sdelay $0x1  }
0x117: {  	s5 =	smov.u32 s18;
	s18 =	simm.s32 $0x10  }
0x118: {  	s2 =	simm.s32 $0x10;
	s19 =	simm.s32 $0x0;
	s20 =	simm.s32 $0x20;
	v5 =	vld [tilespmem:s18+$0x0]  }
.LBB2_3:
0x119: {  	p1 =	sne.s32 s20, $0x3FF0;
	_ =	sdelay $0x1  }
0x11a: {  	v6, _, _ =	vpop (xrf0)  }
0x11b: {  	(v2sf) =	vpush v6, $0xF  }
0x11c: {  	vm0 =	vgt.s32 v5, v3;
	vm1 =	veq.s32 v5, v3  }
0x11d: {  	v5 =	vsel vm1, $0x1, v1  }
0x11e: {  	(xrf0) =	vadd.scan.msk.s32 $0xffff, v5;
	s4 =	spop (v2sf)  }
0x11f: {  	s1 =	sadd.s32 s1, s4;
	_ =	sdelay $0x4  }
0x120: {  	v5, _, _ =	vpop (xrf0)  }
0x121: {  	v6 =	vadd.s32 s1, v5;
	(v2sf) =	vpush v5, $0xF  }
0x122: {  	vm2 =	vle.s32 v6, v4  }
0x123: {  	vm1 =	vmand vm1, vm2  }
0x124: {  	vm0 =	vmor vm0, vm1  }
.Ltmp3:
0x125: {  	v5 =	vsel vm0, $0x1, v1;
	(pc) =	sbr.rel @p1 .LBB2_3-.Ltmp3, $4  }
0x126: {  	(xrf0) =	vadd.scan.msk.s32 $0xffff, v5;
	s4 =	spop (v2sf)  }
0x127: {  	v5 =	vor.u32 s18, v2;
	s18 =	smov.u32 s20;
	s19 =	sadd.s32 s19, s4  }
0x128: {  	s2 =	sadd.s32 $0x10, s2;
	[tilespmem:s19+$0x4000] =	vst.msk vm0, v5  }
0x129: {  	s20 =	sadd.s32 $0x10, s20;
	v5 =	vld [tilespmem:s2+$0x0]  }
.Ltmp4:
0x12a: {  	_ = 	snop;
	(pc) =	sbr.rel .LBB2_4-.Ltmp4, $1  }
0x12b: {  	_ =	sdelay $0x3  }
.LBB2_6:
0x12c: {  	_ =	sfence.sel $0x180000  }
0x12d: {  	[bflag:$0x0] =	sbarrier.arrive $0xFFFF  }
0x12e: {  	_ =	strace $0x90000047  }
0x12f: {  	s0 =	stileid.u32;
	[bflag:$0x2] =	sbarrier.arrive $0xFFFF  }
0x130: {  	p0 =	sne.s32 s0, $0x0;
	s0 =	rddreg [dreg:$0x2]  }
0x131: {  	s0 =	sadd.s32 @!p0 $0x100000, s0  }
0x132: {  	[sflag:s0] =	ssyncadd.tile.s32 @!p0 $0x1;
	_ =	shalt  }
.Lfunc_end2:
_tile_overlayer_lowered:
.L_overlay_start_2:
0x133: {  	(tag) =	ssettag $0x2  }
0x134: {  	s0 =	rddreg [dreg:$0x0];
	s2 =	stileid.u32  }
0x135: {  	s1 =	rddreg [dreg:$0x1];
	p0 =	sne.s32 s2, $0x0  }
0x136: {  	s3 =	rddreg [dreg:$0x2];
	[bflag:$0x3] =	sbarrier.arrive $0xFFFF;
	s2 =	simm.s32 @!p0 $0x1C02  }
0x137: {  	[timem:s3], [sflag:s2] =	dma.local @!p0 [hbm:s0], s1  }
0x138: {  	s0 =	simm.s32 @!p0 $0x2  }
0x139: {  	_ =	swait.ge @!p0 [sflag:s0], s1  }
0x13a: {  	s1 =	ssub.s32 @!p0 $0x0, s1;
	[sflag:s0] =	ssyncset.done @!p0 $0x0  }
0x13b: {  	[sflag:s0] =	ssyncadd.s32 @!p0 s1  }
0x13c: {  	[bflag:$0x3] =	sbarrier.arrive $0xFFFF  }
0x13d: {  	_ =	shalt  }

</sc_bundles>
